<compile_context>
chip_gen: v7x
topology: tpu7x:2x2x1
jax: 0.10.2.dev20260603
libtpu: 0.0.44.dev20260713+nightly
codegen_flags: <defaults>
</compile_context>

<pallas_src>
import jax
import jax.numpy as jnp
from jax.experimental import pallas as pl
from jax.experimental.pallas import tpu as pltpu
from jax.experimental.pallas import tpu_sc as plsc

_N = 50000
_E = 800000
_EP_ROWS = 6400
_EP = _EP_ROWS * 128
_ACC_ROWS = 50048
_SUB_ROWS = 3128
_LAST_ROWS = 3080
_ZB_ROWS = 391

_AGG_SUB_CHUNKS = 400
_AGG_NB = 4
_AGG_ITERS = 100

_DEG_SUB_CHUNKS = 200
_DEG_NB = 8
_DEG_ITERS = 25

_R = 2000
_G = 25

_HIGH = jax.lax.Precision.HIGHEST
_sc_params = pltpu.CompilerParams(use_tc_tiling_on_sc=False)
_mesh = plsc.VectorSubcoreMesh(core_axis_name="c", subcore_axis_name="s")


def _zero_acc(acc, zbuf, s, width):
    zeros16 = jnp.zeros((16,), jnp.float32)

    @pl.loop(0, _ZB_ROWS)
    def _(i):
        for w0 in range(0, width, 16):
            zbuf[i, pl.ds(w0, 16)] = zeros16

    r0 = s * _SUB_ROWS
    for q in range(8):
        pltpu.sync_copy(zbuf, acc.at[pl.ds(r0 + q * _ZB_ROWS, _ZB_ROWS)])


def _writeback(acc, out, s):
    r0 = s * _SUB_ROWS

    @pl.when(s != 15)
    def _():
        pltpu.sync_copy(acc.at[pl.ds(r0, _SUB_ROWS)],
                        out.at[pl.ds(r0, _SUB_ROWS)])

    @pl.when(s == 15)
    def _():
        pltpu.sync_copy(acc.at[pl.ds(15 * _SUB_ROWS, _LAST_ROWS)],
                        out.at[pl.ds(15 * _SUB_ROWS, _LAST_ROWS)])


def _agg_body(hs_a, hs_b, src_r, dst_r, s_a, s_b, acc, zbuf, sidx, didx, gath):
    c = jax.lax.axis_index("c")
    s = jax.lax.axis_index("s")
    _zero_acc(acc, zbuf, s, 32)
    plsc.subcore_barrier()

    def edge_pass(hs):
        @pl.loop(0, _AGG_ITERS)
        def _(it):
            row0 = s * _AGG_SUB_CHUNKS + it * _AGG_NB
            pltpu.sync_copy(src_r.at[pl.ds(row0, _AGG_NB)], sidx)
            pltpu.sync_copy(dst_r.at[pl.ds(row0, _AGG_NB)], didx)
            for j in range(_AGG_NB):
                pltpu.sync_copy(hs.at[sidx.at[j]],
                                gath.at[pl.ds(j * 128, 128)])
            for j in range(_AGG_NB):
                pltpu.sync_copy(gath.at[pl.ds(j * 128, 128)],
                                acc.at[didx.at[j]], add=True)

    @pl.when(c == 0)
    def _():
        edge_pass(hs_a)

    @pl.when(c == 1)
    def _():
        edge_pass(hs_b)

    plsc.subcore_barrier()

    @pl.when(c == 0)
    def _():
        _writeback(acc, s_a, s)

    @pl.when(c == 1)
    def _():
        _writeback(acc, s_b, s)


@jax.jit
def _agg(hs_a, hs_b, src_r, dst_r):
    f32 = jnp.float32
    return pl.kernel(
        _agg_body,
        out_type=(jax.ShapeDtypeStruct((_N, 32), f32),
                  jax.ShapeDtypeStruct((_N, 32), f32)),
        mesh=_mesh,
        compiler_params=_sc_params,
        scratch_types=[
            pltpu.VMEM_SHARED((_ACC_ROWS, 32), f32),
            pltpu.VMEM((_ZB_ROWS, 32), f32),
            pltpu.VMEM((_AGG_NB, 128), jnp.int32),
            pltpu.VMEM((_AGG_NB, 128), jnp.int32),
            pltpu.VMEM((_AGG_NB * 128, 32), f32),
        ],
    )(hs_a, hs_b, src_r, dst_r)


def _deg_body(dst_r, degp_a, degp_b, acc, zbuf, didx, ones_buf):
    c = jax.lax.axis_index("c")
    s = jax.lax.axis_index("s")
    ones16 = jnp.ones((16,), jnp.float32)

    @pl.loop(0, 64)
    def _(i):
        ones_buf[i, pl.ds(0, 16)] = ones16

    _zero_acc(acc, zbuf, s, 8)
    plsc.subcore_barrier()

    @pl.loop(0, _DEG_ITERS)
    def _(it):
        row0 = (c * 16 + s) * _DEG_SUB_CHUNKS + it * _DEG_NB
        pltpu.sync_copy(dst_r.at[pl.ds(row0, _DEG_NB)], didx)
        for j in range(_DEG_NB):
            pltpu.sync_copy(ones_buf, acc.at[didx.at[j]], add=True)

    plsc.subcore_barrier()

    @pl.when(c == 0)
    def _():
        _writeback(acc, degp_a, s)

    @pl.when(c == 1)
    def _():
        _writeback(acc, degp_b, s)


@jax.jit
def _deg(dst_r):
    f32 = jnp.float32
    return pl.kernel(
        _deg_body,
        out_type=(jax.ShapeDtypeStruct((_N, 8), f32),
                  jax.ShapeDtypeStruct((_N, 8), f32)),
        mesh=_mesh,
        compiler_params=_sc_params,
        scratch_types=[
            pltpu.VMEM_SHARED((_ACC_ROWS, 8), f32),
            pltpu.VMEM((_ZB_ROWS, 8), f32),
            pltpu.VMEM((_DEG_NB, 128), jnp.int32),
            pltpu.VMEM((128, 8), f32),
        ],
    )(dst_r)



def _row_spec(width):
    return pl.BlockSpec((_R, width), lambda i: (i, 0))


def _full_spec(shape):
    return pl.BlockSpec(shape, lambda i: tuple(0 for _ in shape))


def _k0_body(x, dpa, dpb, wlin, blin, w1, hs_a, hs_b, degq):
    deg = dpa[...] + dpb[...] + 1.0
    degq[...] = deg
    dis = jax.lax.rsqrt(deg[:, :1])
    t0 = jnp.tanh(jnp.dot(x[...], wlin[...], precision=_HIGH) + blin[0])
    hs = jnp.dot(t0, w1[...], precision=_HIGH) * dis
    hs_a[...] = hs[:, :32]
    hs_b[...] = hs[:, 32:]


@jax.jit
def _k0(x, dpa, dpb, wlin, blin, w1):
    f32 = jnp.float32
    return pl.pallas_call(
        _k0_body,
        grid=(_G,),
        in_specs=[_row_spec(128), _row_spec(8), _row_spec(8),
                  _full_spec((128, 64)), _full_spec((1, 64)),
                  _full_spec((64, 64))],
        out_specs=(_row_spec(32), _row_spec(32), _row_spec(8)),
        out_shape=(jax.ShapeDtypeStruct((_N, 32), f32),
                   jax.ShapeDtypeStruct((_N, 32), f32),
                   jax.ShapeDtypeStruct((_N, 8), f32)),
    )(x, dpa, dpb, wlin, blin, w1)


def _act(sa, sb, ha, hb, degq, b):
    dis = jax.lax.rsqrt(degq[...][:, :1])
    full = jnp.concatenate([sa[...] + ha[...], sb[...] + hb[...]], axis=1)
    return jnp.tanh(full * dis + b[0]), dis


def _kmid_body(sa, sb, ha, hb, degq, b, w, oa, ob):
    t, dis = _act(sa, sb, ha, hb, degq, b)
    hs = jnp.dot(t, w[...], precision=_HIGH) * dis
    oa[...] = hs[:, :32]
    ob[...] = hs[:, 32:]


@jax.jit
def _kmid(sa, sb, ha, hb, degq, b, w):
    f32 = jnp.float32
    return pl.pallas_call(
        _kmid_body,
        grid=(_G,),
        in_specs=[_row_spec(32), _row_spec(32), _row_spec(32), _row_spec(32),
                  _row_spec(8), _full_spec((1, 64)), _full_spec((64, 64))],
        out_specs=(_row_spec(32), _row_spec(32)),
        out_shape=(jax.ShapeDtypeStruct((_N, 32), f32),
                   jax.ShapeDtypeStruct((_N, 32), f32)),
    )(sa, sb, ha, hb, degq, b, w)


def _k3_body(sa, sb, ha, hb, degq, b3, wpost, bpost, wd1,
             h_l, z, oa, ob):
    t, dis = _act(sa, sb, ha, hb, degq, b3)
    h_l[...] = t
    zz = jnp.dot(t, wpost[...], precision=_HIGH) + bpost[0]
    z[...] = zz
    hs = jnp.dot(zz, wd1[...], precision=_HIGH) * dis
    oa[...] = hs[:, :32]
    ob[...] = hs[:, 32:]


@jax.jit
def _k3(sa, sb, ha, hb, degq, b3, wpost, bpost, wd1):
    f32 = jnp.float32
    return pl.pallas_call(
        _k3_body,
        grid=(_G,),
        in_specs=[_row_spec(32), _row_spec(32), _row_spec(32), _row_spec(32),
                  _row_spec(8), _full_spec((1, 64)), _full_spec((64, 64)),
                  _full_spec((1, 64)), _full_spec((64, 64))],
        out_specs=(_row_spec(64), _row_spec(64), _row_spec(32), _row_spec(32)),
        out_shape=(jax.ShapeDtypeStruct((_N, 64), f32),
                   jax.ShapeDtypeStruct((_N, 64), f32),
                   jax.ShapeDtypeStruct((_N, 32), f32),
                   jax.ShapeDtypeStruct((_N, 32), f32)),
    )(sa, sb, ha, hb, degq, b3, wpost, bpost, wd1)


def _k5_body(sa, sb, ha, hb, degq, b, oa, ob):
    t, dis = _act(sa, sb, ha, hb, degq, b)
    hs = t * dis
    oa[...] = hs[:, :32]
    ob[...] = hs[:, 32:]


@jax.jit
def _k5(sa, sb, ha, hb, degq, b):
    f32 = jnp.float32
    return pl.pallas_call(
        _k5_body,
        grid=(_G,),
        in_specs=[_row_spec(32), _row_spec(32), _row_spec(32), _row_spec(32),
                  _row_spec(8), _full_spec((1, 64))],
        out_specs=(_row_spec(32), _row_spec(32)),
        out_shape=(jax.ShapeDtypeStruct((_N, 32), f32),
                   jax.ShapeDtypeStruct((_N, 32), f32)),
    )(sa, sb, ha, hb, degq, b)


def _k6_body(sa, sb, ha, hb, degq, w3d, b3d, wp, bp, hp, recon):
    dis = jax.lax.rsqrt(degq[...][:, :1])
    agg = jnp.concatenate([sa[...] + ha[...], sb[...] + hb[...]], axis=1) * dis
    h = jnp.dot(agg, w3d[...], precision=_HIGH) + b3d[0]
    hp[...] = h
    recon[...] = jnp.dot(h, wp[...], precision=_HIGH) + bp[0]


@jax.jit
def _k6(sa, sb, ha, hb, degq, w3d, b3d, wp, bp):
    f32 = jnp.float32
    return pl.pallas_call(
        _k6_body,
        grid=(_G,),
        in_specs=[_row_spec(32), _row_spec(32), _row_spec(32), _row_spec(32),
                  _row_spec(8), _full_spec((64, 128)), _full_spec((1, 128)),
                  _full_spec((128, 128)), _full_spec((1, 128))],
        out_specs=(_row_spec(128), _row_spec(128)),
        out_shape=(jax.ShapeDtypeStruct((_N, 128), f32),
                   jax.ShapeDtypeStruct((_N, 128), f32)),
    )(sa, sb, ha, hb, degq, w3d, b3d, wp, bp)


def kernel(x, edge_index,
           enc_lin_W, enc_lin_b,
           enc_conv1_W, enc_conv1_b, enc_conv2_W, enc_conv2_b,
           enc_conv3_W, enc_conv3_b,
           enc_post_W, enc_post_b,
           dec_conv1_W, dec_conv1_b, dec_conv2_W, dec_conv2_b,
           dec_conv3_W, dec_conv3_b,
           dec_post_W, dec_post_b):
    pad = _EP - _E
    src_r = jnp.concatenate(
        [edge_index[0], jnp.zeros((pad,), jnp.int32)]).reshape(_EP_ROWS, 128)
    dst_r = jnp.concatenate(
        [edge_index[1], jnp.full((pad,), _N, jnp.int32)]).reshape(_EP_ROWS, 128)

    row = lambda v: v.reshape(1, -1)
    dpa, dpb = _deg(dst_r)
    h1a, h1b, degq = _k0(x, dpa, dpb, enc_lin_W, row(enc_lin_b), enc_conv1_W)
    s1a, s1b = _agg(h1a, h1b, src_r, dst_r)
    h2a, h2b = _kmid(s1a, s1b, h1a, h1b, degq, row(enc_conv1_b), enc_conv2_W)
    s2a, s2b = _agg(h2a, h2b, src_r, dst_r)
    h3a, h3b = _kmid(s2a, s2b, h2a, h2b, degq, row(enc_conv2_b), enc_conv3_W)
    s3a, s3b = _agg(h3a, h3b, src_r, dst_r)
    h_l, z, h4a, h4b = _k3(s3a, s3b, h3a, h3b, degq, row(enc_conv3_b),
                           enc_post_W, row(enc_post_b), dec_conv1_W)
    s4a, s4b = _agg(h4a, h4b, src_r, dst_r)
    h5a, h5b = _kmid(s4a, s4b, h4a, h4b, degq, row(dec_conv1_b), dec_conv2_W)
    s5a, s5b = _agg(h5a, h5b, src_r, dst_r)
    h6a, h6b = _k5(s5a, s5b, h5a, h5b, degq, row(dec_conv2_b))
    s6a, s6b = _agg(h6a, h6b, src_r, dst_r)
    h_prime_l, recon = _k6(s6a, s6b, h6a, h6b, degq, dec_conv3_W,
                           row(dec_conv3_b), dec_post_W, row(dec_post_b))
    return (recon, z, h_l, h_prime_l)

# --- scband reference (transcript-rebuilt; emitter-appended) ---
"""Pipeline reference for scband-fed-chg-gae-34815004902081 (READ-ONLY COPY).

The authoritative reference and input builder live on the scoring server;
editing this copy changes nothing except your own understanding.
"""

import jax, jax.numpy as jnp
import numpy as np


def gcn_conv(x, src, dst, norm, W, b):
    h = x @ W
    msg = h[src] * norm[:, None]
    out = jnp.zeros((x.shape[0], W.shape[1]), dtype=x.dtype).at[dst].add(msg)
    return out + b


def setup_inputs(seed: int = 0) -> dict:
    key = jax.random.key(seed)
    ks = jax.random.split(key, 24)
    N, E, in_dim, hid = 50000, 800000, 128, 64
    x = jax.random.normal(ks[0], (N, in_dim), dtype=jnp.float32)
    edge_index = jax.random.randint(ks[1], (2, E), 0, N, dtype=jnp.int32)

    def glorot(k, shape):
        lim = np.sqrt(6.0 / (shape[0] + shape[1]))
        return jax.random.uniform(k, shape, jnp.float32, -lim, lim)

    params = {
        'enc_lin_W': glorot(ks[2], (in_dim, hid)), 'enc_lin_b': jnp.zeros((hid,), jnp.float32),
        'enc_conv1_W': glorot(ks[3], (hid, hid)), 'enc_conv1_b': jnp.zeros((hid,), jnp.float32),
        'enc_conv2_W': glorot(ks[4], (hid, hid)), 'enc_conv2_b': jnp.zeros((hid,), jnp.float32),
        'enc_conv3_W': glorot(ks[5], (hid, hid)), 'enc_conv3_b': jnp.zeros((hid,), jnp.float32),
        'enc_post_W': glorot(ks[6], (hid, hid)), 'enc_post_b': jnp.zeros((hid,), jnp.float32),
        'dec_conv1_W': glorot(ks[7], (hid, hid)), 'dec_conv1_b': jnp.zeros((hid,), jnp.float32),
        'dec_conv2_W': glorot(ks[8], (hid, hid)), 'dec_conv2_b': jnp.zeros((hid,), jnp.float32),
        'dec_conv3_W': glorot(ks[9], (hid, in_dim)), 'dec_conv3_b': jnp.zeros((in_dim,), jnp.float32),
        'dec_post_W': glorot(ks[10], (in_dim, in_dim)), 'dec_post_b': jnp.zeros((in_dim,), jnp.float32),
    }
    return {'x': x, 'edge_index': edge_index, **params}


def reference(x, edge_index,
              enc_lin_W, enc_lin_b,
              enc_conv1_W, enc_conv1_b, enc_conv2_W, enc_conv2_b, enc_conv3_W, enc_conv3_b,
              enc_post_W, enc_post_b,
              dec_conv1_W, dec_conv1_b, dec_conv2_W, dec_conv2_b, dec_conv3_W, dec_conv3_b,
              dec_post_W, dec_post_b):
    N = x.shape[0]
    loop = jnp.arange(N, dtype=edge_index.dtype)
    src = jnp.concatenate([edge_index[0], loop])
    dst = jnp.concatenate([edge_index[1], loop])
    deg = jnp.zeros((N,), x.dtype).at[dst].add(1.0)
    dis = jnp.where(deg > 0, jax.lax.rsqrt(deg), 0.0)
    norm = dis[src] * dis[dst]
    # encode (dropout is identity in eval mode)
    h = jnp.tanh(x @ enc_lin_W + enc_lin_b)
    h = jnp.tanh(gcn_conv(h, src, dst, norm, enc_conv1_W, enc_conv1_b))
    h = jnp.tanh(gcn_conv(h, src, dst, norm, enc_conv2_W, enc_conv2_b))
    h_L = jnp.tanh(gcn_conv(h, src, dst, norm, enc_conv3_W, enc_conv3_b))
    z = h_L @ enc_post_W + enc_post_b
    # decode
    d = jnp.tanh(gcn_conv(z, src, dst, norm, dec_conv1_W, dec_conv1_b))
    d = jnp.tanh(gcn_conv(d, src, dst, norm, dec_conv2_W, dec_conv2_b))
    h_prime_L = gcn_conv(d, src, dst, norm, dec_conv3_W, dec_conv3_b)
    recon = h_prime_L @ dec_post_W + dec_post_b
    return (recon, z, h_L, h_prime_L)

if __name__ == "__main__":
    import jax
    _d = setup_inputs()
    print(jax.jit(kernel)(*tuple(_d.values())))

</pallas_src>

<mosaic_0001>
#map = affine_map<(d0, d1) -> (0, 0)>
module attributes {stable_mosaic.version = 14 : i64} {
  func.func @_deg_body(%arg0: i32, %arg1: i32, %arg2: memref<6400x128xi32, #tpu.memory_space<hbm>>, %arg3: memref<50000x8xf32, #tpu.memory_space<hbm>>, %arg4: memref<50000x8xf32, #tpu.memory_space<hbm>>, %arg5: memref<50048x8xf32, #tpu.memory_space<vmem_shared>>, %arg6: memref<391x8xf32, #tpu.memory_space<vmem>>, %arg7: memref<8x128xi32, #tpu.memory_space<vmem>>, %arg8: memref<128x8xf32, #tpu.memory_space<vmem>>) attributes {dimension_semantics = [#tpu.dimension_semantics<core_parallel>, #tpu.dimension_semantics<subcore_parallel>], iteration_bounds = array<i64: 2, 16>, scalar_prefetch = 0 : i64, scratch_operands = 4 : i64, tpu.core_type = #tpu.core_type<sc_vector_subcore>, window_params = [{transform_indices = #map}, {transform_indices = #map}, {transform_indices = #map}]} {
    %broadcast_in_dim3A = arith.constant 1.000000e+00 : f32
    %broadcast_in_dim3A_0 = vector.broadcast %broadcast_in_dim3A : f32 to vector<16xf32>
    %scan3A = arith.constant 0 : i32
    %scan3A_1 = arith.constant 64 : i32
    %scan3A_2 = arith.addi %scan3A, %scan3A_1 : i32
    %scan3A_3 = arith.constant 1 : i32
    scf.for %scan3A_41 = %scan3A to %scan3A_2 step %scan3A_3  : i32 {
      %mul3A_42 = arith.constant 1 : i32
      %mul3A_43 = arith.muli %scan3A_41, %mul3A_42 : i32
      %add3A_44 = arith.constant 0 : i32
      %add3A_45 = arith.addi %add3A_44, %mul3A_43 : i32
      %swap3A = arith.index_cast %add3A_45 : i32 to index
      %swap3A_46 = arith.constant 0 : index
      %swap3A_47 = tpu.vector_load %arg8[%swap3A, %swap3A_46] {strides = array<i32>} : memref<128x8xf32, #tpu.memory_space<vmem>>, vector<1x16xf32>,
      %swap3A_48 = vector.shape_cast %swap3A_47 : vector<1x16xf32> to vector<16xf32>
      %swap3A_49 = vector.shape_cast %broadcast_in_dim3A_0 : vector<16xf32> to vector<1x16xf32>
      tpu.vector_store %arg8[%swap3A, %swap3A_46], %swap3A_49 {strides = array<i32>} : memref<128x8xf32, #tpu.memory_space<vmem>>, vector<1x16xf32>,
    }
    %scan3A_4 = arith.constant 64 : i32
    %broadcast_in_dim3A_5 = arith.constant 0.000000e+00 : f32
    %broadcast_in_dim3A_6 = vector.broadcast %broadcast_in_dim3A_5 : f32 to vector<16xf32>
    %scan3A_7 = arith.constant 0 : i32
    %scan3A_8 = arith.constant 391 : i32
    %scan3A_9 = arith.addi %scan3A_7, %scan3A_8 : i32
    %scan3A_10 = arith.constant 1 : i32
    scf.for %scan3A_41 = %scan3A_7 to %scan3A_9 step %scan3A_10  : i32 {
      %mul3A_42 = arith.constant 1 : i32
      %mul3A_43 = arith.muli %scan3A_41, %mul3A_42 : i32
      %add3A_44 = arith.constant 0 : i32
      %add3A_45 = arith.addi %add3A_44, %mul3A_43 : i32
      %swap3A = arith.index_cast %add3A_45 : i32 to index
      %swap3A_46 = arith.constant 0 : index
      %swap3A_47 = tpu.vector_load %arg6[%swap3A, %swap3A_46] {strides = array<i32>} : memref<391x8xf32, #tpu.memory_space<vmem>>, vector<1x16xf32>,
      %swap3A_48 = vector.shape_cast %swap3A_47 : vector<1x16xf32> to vector<16xf32>
      %swap3A_49 = vector.shape_cast %broadcast_in_dim3A_6 : vector<16xf32> to vector<1x16xf32>
      tpu.vector_store %arg6[%swap3A, %swap3A_46], %swap3A_49 {strides = array<i32>} : memref<391x8xf32, #tpu.memory_space<vmem>>, vector<1x16xf32>,
    }
    %scan3A_11 = arith.constant 391 : i32
    %mul3A = arith.constant 3128 : i32
    %mul3A_12 = arith.muli %arg1, %mul3A : i32
    %add3A = arith.constant 0 : i32
    %add3A_13 = arith.addi %mul3A_12, %add3A : i32
    "tpu.region"() ({
      %run_scoped3A = tpu.sem_alloc : memref<!tpu.dma_semaphore, #tpu.memory_space<semaphore_mem>>
      %dma_start3A = arith.constant 0 : i32
      %dma_start3A_41 = tpu.memref_slice %arg5[%add3A_13, %dma_start3A] : memref<50048x8xf32, #tpu.memory_space<vmem_shared>> -> memref<391x8xf32, #tpu.memory_space<vmem_shared>>
      %dma_start3A_42 = arith.constant 0 : i32
      %dma_start3A_43 = tpu.memref_slice %arg5[%add3A_13, %dma_start3A_42] : memref<50048x8xf32, #tpu.memory_space<vmem_shared>> -> memref<391x8xf32, #tpu.memory_space<vmem_shared>>
      tpu.enqueue_dma source(%arg6 : memref<391x8xf32, #tpu.memory_space<vmem>>) target(%dma_start3A_43 : memref<391x8xf32, #tpu.memory_space<vmem_shared>>) target_semaphore(%run_scoped3A : memref<!tpu.dma_semaphore, #tpu.memory_space<semaphore_mem>>)
      %dma_wait3A = arith.constant 0 : i32
      %dma_wait3A_44 = tpu.memref_slice %arg5[%add3A_13, %dma_wait3A] : memref<50048x8xf32, #tpu.memory_space<vmem_shared>> -> memref<391x8xf32, #tpu.memory_space<vmem_shared>>
      %dma_wait3A_45 = arith.constant 0 : i32
      %dma_wait3A_46 = tpu.memref_slice %arg5[%add3A_13, %dma_wait3A_45] : memref<50048x8xf32, #tpu.memory_space<vmem_shared>> -> memref<391x8xf32, #tpu.memory_space<vmem_shared>>
      tpu.wait_dma2 semaphore(%run_scoped3A : memref<!tpu.dma_semaphore, #tpu.memory_space<semaphore_mem>>) src(%arg6 : memref<391x8xf32, #tpu.memory_space<vmem>>) dst(%dma_wait3A_46 : memref<391x8xf32, #tpu.memory_space<vmem_shared>>)
      tpu.yield
    }) : () -> ()
    %add3A_14 = arith.constant 391 : i32
    %add3A_15 = arith.addi %mul3A_12, %add3A_14 : i32
    "tpu.region"() ({
      %run_scoped3A = tpu.sem_alloc : memref<!tpu.dma_semaphore, #tpu.memory_space<semaphore_mem>>
      %dma_start3A = arith.constant 0 : i32
      %dma_start3A_41 = tpu.memref_slice %arg5[%add3A_15, %dma_start3A] : memref<50048x8xf32, #tpu.memory_space<vmem_shared>> -> memref<391x8xf32, #tpu.memory_space<vmem_shared>>
      %dma_start3A_42 = arith.constant 0 : i32
      %dma_start3A_43 = tpu.memref_slice %arg5[%add3A_15, %dma_start3A_42] : memref<50048x8xf32, #tpu.memory_space<vmem_shared>> -> memref<391x8xf32, #tpu.memory_space<vmem_shared>>
      tpu.enqueue_dma source(%arg6 : memref<391x8xf32, #tpu.memory_space<vmem>>) target(%dma_start3A_43 : memref<391x8xf32, #tpu.memory_space<vmem_shared>>) target_semaphore(%run_scoped3A : memref<!tpu.dma_semaphore, #tpu.memory_space<semaphore_mem>>)
      %dma_wait3A = arith.constant 0 : i32
      %dma_wait3A_44 = tpu.memref_slice %arg5[%add3A_15, %dma_wait3A] : memref<50048x8xf32, #tpu.memory_space<vmem_shared>> -> memref<391x8xf32, #tpu.memory_space<vmem_shared>>
      %dma_wait3A_45 = arith.constant 0 : i32
      %dma_wait3A_46 = tpu.memref_slice %arg5[%add3A_15, %dma_wait3A_45] : memref<50048x8xf32, #tpu.memory_space<vmem_shared>> -> memref<391x8xf32, #tpu.memory_space<vmem_shared>>
      tpu.wait_dma2 semaphore(%run_scoped3A : memref<!tpu.dma_semaphore, #tpu.memory_space<semaphore_mem>>) src(%arg6 : memref<391x8xf32, #tpu.memory_space<vmem>>) dst(%dma_wait3A_46 : memref<391x8xf32, #tpu.memory_space<vmem_shared>>)
      tpu.yield
    }) : () -> ()
    %add3A_16 = arith.constant 782 : i32
    %add3A_17 = arith.addi %mul3A_12, %add3A_16 : i32
    "tpu.region"() ({
      %run_scoped3A = tpu.sem_alloc : memref<!tpu.dma_semaphore, #tpu.memory_space<semaphore_mem>>
      %dma_start3A = arith.constant 0 : i32
      %dma_start3A_41 = tpu.memref_slice %arg5[%add3A_17, %dma_start3A] : memref<50048x8xf32, #tpu.memory_space<vmem_shared>> -> memref<391x8xf32, #tpu.memory_space<vmem_shared>>
      %dma_start3A_42 = arith.constant 0 : i32
      %dma_start3A_43 = tpu.memref_slice %arg5[%add3A_17, %dma_start3A_42] : memref<50048x8xf32, #tpu.memory_space<vmem_shared>> -> memref<391x8xf32, #tpu.memory_space<vmem_shared>>
      tpu.enqueue_dma source(%arg6 : memref<391x8xf32, #tpu.memory_space<vmem>>) target(%dma_start3A_43 : memref<391x8xf32, #tpu.memory_space<vmem_shared>>) target_semaphore(%run_scoped3A : memref<!tpu.dma_semaphore, #tpu.memory_space<semaphore_mem>>)
      %dma_wait3A = arith.constant 0 : i32
      %dma_wait3A_44 = tpu.memref_slice %arg5[%add3A_17, %dma_wait3A] : memref<50048x8xf32, #tpu.memory_space<vmem_shared>> -> memref<391x8xf32, #tpu.memory_space<vmem_shared>>
      %dma_wait3A_45 = arith.constant 0 : i32
      %dma_wait3A_46 = tpu.memref_slice %arg5[%add3A_17, %dma_wait3A_45] : memref<50048x8xf32, #tpu.memory_space<vmem_shared>> -> memref<391x8xf32, #tpu.memory_space<vmem_shared>>
      tpu.wait_dma2 semaphore(%run_scoped3A : memref<!tpu.dma_semaphore, #tpu.memory_space<semaphore_mem>>) src(%arg6 : memref<391x8xf32, #tpu.memory_space<vmem>>) dst(%dma_wait3A_46 : memref<391x8xf32, #tpu.memory_space<vmem_shared>>)
      tpu.yield
    }) : () -> ()
    %add3A_18 = arith.constant 1173 : i32
    %add3A_19 = arith.addi %mul3A_12, %add3A_18 : i32
    "tpu.region"() ({
      %run_scoped3A = tpu.sem_alloc : memref<!tpu.dma_semaphore, #tpu.memory_space<semaphore_mem>>
      %dma_start3A = arith.constant 0 : i32
      %dma_start3A_41 = tpu.memref_slice %arg5[%add3A_19, %dma_start3A] : memref<50048x8xf32, #tpu.memory_space<vmem_shared>> -> memref<391x8xf32, #tpu.memory_space<vmem_shared>>
      %dma_start3A_42 = arith.constant 0 : i32
      %dma_start3A_43 = tpu.memref_slice %arg5[%add3A_19, %dma_start3A_42] : memref<50048x8xf32, #tpu.memory_space<vmem_shared>> -> memref<391x8xf32, #tpu.memory_space<vmem_shared>>
      tpu.enqueue_dma source(%arg6 : memref<391x8xf32, #tpu.memory_space<vmem>>) target(%dma_start3A_43 : memref<391x8xf32, #tpu.memory_space<vmem_shared>>) target_semaphore(%run_scoped3A : memref<!tpu.dma_semaphore, #tpu.memory_space<semaphore_mem>>)
      %dma_wait3A = arith.constant 0 : i32
      %dma_wait3A_44 = tpu.memref_slice %arg5[%add3A_19, %dma_wait3A] : memref<50048x8xf32, #tpu.memory_space<vmem_shared>> -> memref<391x8xf32, #tpu.memory_space<vmem_shared>>
      %dma_wait3A_45 = arith.constant 0 : i32
      %dma_wait3A_46 = tpu.memref_slice %arg5[%add3A_19, %dma_wait3A_45] : memref<50048x8xf32, #tpu.memory_space<vmem_shared>> -> memref<391x8xf32, #tpu.memory_space<vmem_shared>>
      tpu.wait_dma2 semaphore(%run_scoped3A : memref<!tpu.dma_semaphore, #tpu.memory_space<semaphore_mem>>) src(%arg6 : memref<391x8xf32, #tpu.memory_space<vmem>>) dst(%dma_wait3A_46 : memref<391x8xf32, #tpu.memory_space<vmem_shared>>)
      tpu.yield
    }) : () -> ()
    %add3A_20 = arith.constant 1564 : i32
    %add3A_21 = arith.addi %mul3A_12, %add3A_20 : i32
    "tpu.region"() ({
      %run_scoped3A = tpu.sem_alloc : memref<!tpu.dma_semaphore, #tpu.memory_space<semaphore_mem>>
      %dma_start3A = arith.constant 0 : i32
      %dma_start3A_41 = tpu.memref_slice %arg5[%add3A_21, %dma_start3A] : memref<50048x8xf32, #tpu.memory_space<vmem_shared>> -> memref<391x8xf32, #tpu.memory_space<vmem_shared>>
      %dma_start3A_42 = arith.constant 0 : i32
      %dma_start3A_43 = tpu.memref_slice %arg5[%add3A_21, %dma_start3A_42] : memref<50048x8xf32, #tpu.memory_space<vmem_shared>> -> memref<391x8xf32, #tpu.memory_space<vmem_shared>>
      tpu.enqueue_dma source(%arg6 : memref<391x8xf32, #tpu.memory_space<vmem>>) target(%dma_start3A_43 : memref<391x8xf32, #tpu.memory_space<vmem_shared>>) target_semaphore(%run_scoped3A : memref<!tpu.dma_semaphore, #tpu.memory_space<semaphore_mem>>)
      %dma_wait3A = arith.constant 0 : i32
      %dma_wait3A_44 = tpu.memref_slice %arg5[%add3A_21, %dma_wait3A] : memref<50048x8xf32, #tpu.memory_space<vmem_shared>> -> memref<391x8xf32, #tpu.memory_space<vmem_shared>>
      %dma_wait3A_45 = arith.constant 0 : i32
      %dma_wait3A_46 = tpu.memref_slice %arg5[%add3A_21, %dma_wait3A_45] : memref<50048x8xf32, #tpu.memory_space<vmem_shared>> -> memref<391x8xf32, #tpu.memory_space<vmem_shared>>
      tpu.wait_dma2 semaphore(%run_scoped3A : memref<!tpu.dma_semaphore, #tpu.memory_space<semaphore_mem>>) src(%arg6 : memref<391x8xf32, #tpu.memory_space<vmem>>) dst(%dma_wait3A_46 : memref<391x8xf32, #tpu.memory_space<vmem_shared>>)
      tpu.yield
    }) : () -> ()
    %add3A_22 = arith.constant 1955 : i32
    %add3A_23 = arith.addi %mul3A_12, %add3A_22 : i32
    "tpu.region"() ({
      %run_scoped3A = tpu.sem_alloc : memref<!tpu.dma_semaphore, #tpu.memory_space<semaphore_mem>>
      %dma_start3A = arith.constant 0 : i32
      %dma_start3A_41 = tpu.memref_slice %arg5[%add3A_23, %dma_start3A] : memref<50048x8xf32, #tpu.memory_space<vmem_shared>> -> memref<391x8xf32, #tpu.memory_space<vmem_shared>>
      %dma_start3A_42 = arith.constant 0 : i32
      %dma_start3A_43 = tpu.memref_slice %arg5[%add3A_23, %dma_start3A_42] : memref<50048x8xf32, #tpu.memory_space<vmem_shared>> -> memref<391x8xf32, #tpu.memory_space<vmem_shared>>
      tpu.enqueue_dma source(%arg6 : memref<391x8xf32, #tpu.memory_space<vmem>>) target(%dma_start3A_43 : memref<391x8xf32, #tpu.memory_space<vmem_shared>>) target_semaphore(%run_scoped3A : memref<!tpu.dma_semaphore, #tpu.memory_space<semaphore_mem>>)
      %dma_wait3A = arith.constant 0 : i32
      %dma_wait3A_44 = tpu.memref_slice %arg5[%add3A_23, %dma_wait3A] : memref<50048x8xf32, #tpu.memory_space<vmem_shared>> -> memref<391x8xf32, #tpu.memory_space<vmem_shared>>
      %dma_wait3A_45 = arith.constant 0 : i32
      %dma_wait3A_46 = tpu.memref_slice %arg5[%add3A_23, %dma_wait3A_45] : memref<50048x8xf32, #tpu.memory_space<vmem_shared>> -> memref<391x8xf32, #tpu.memory_space<vmem_shared>>
      tpu.wait_dma2 semaphore(%run_scoped3A : memref<!tpu.dma_semaphore, #tpu.memory_space<semaphore_mem>>) src(%arg6 : memref<391x8xf32, #tpu.memory_space<vmem>>) dst(%dma_wait3A_46 : memref<391x8xf32, #tpu.memory_space<vmem_shared>>)
      tpu.yield
    }) : () -> ()
    %add3A_24 = arith.constant 2346 : i32
    %add3A_25 = arith.addi %mul3A_12, %add3A_24 : i32
    "tpu.region"() ({
      %run_scoped3A = tpu.sem_alloc : memref<!tpu.dma_semaphore, #tpu.memory_space<semaphore_mem>>
      %dma_start3A = arith.constant 0 : i32
      %dma_start3A_41 = tpu.memref_slice %arg5[%add3A_25, %dma_start3A] : memref<50048x8xf32, #tpu.memory_space<vmem_shared>> -> memref<391x8xf32, #tpu.memory_space<vmem_shared>>
      %dma_start3A_42 = arith.constant 0 : i32
      %dma_start3A_43 = tpu.memref_slice %arg5[%add3A_25, %dma_start3A_42] : memref<50048x8xf32, #tpu.memory_space<vmem_shared>> -> memref<391x8xf32, #tpu.memory_space<vmem_shared>>
      tpu.enqueue_dma source(%arg6 : memref<391x8xf32, #tpu.memory_space<vmem>>) target(%dma_start3A_43 : memref<391x8xf32, #tpu.memory_space<vmem_shared>>) target_semaphore(%run_scoped3A : memref<!tpu.dma_semaphore, #tpu.memory_space<semaphore_mem>>)
      %dma_wait3A = arith.constant 0 : i32
      %dma_wait3A_44 = tpu.memref_slice %arg5[%add3A_25, %dma_wait3A] : memref<50048x8xf32, #tpu.memory_space<vmem_shared>> -> memref<391x8xf32, #tpu.memory_space<vmem_shared>>
      %dma_wait3A_45 = arith.constant 0 : i32
      %dma_wait3A_46 = tpu.memref_slice %arg5[%add3A_25, %dma_wait3A_45] : memref<50048x8xf32, #tpu.memory_space<vmem_shared>> -> memref<391x8xf32, #tpu.memory_space<vmem_shared>>
      tpu.wait_dma2 semaphore(%run_scoped3A : memref<!tpu.dma_semaphore, #tpu.memory_space<semaphore_mem>>) src(%arg6 : memref<391x8xf32, #tpu.memory_space<vmem>>) dst(%dma_wait3A_46 : memref<391x8xf32, #tpu.memory_space<vmem_shared>>)
      tpu.yield
    }) : () -> ()
    %add3A_26 = arith.constant 2737 : i32
    %add3A_27 = arith.addi %mul3A_12, %add3A_26 : i32
    "tpu.region"() ({
      %run_scoped3A = tpu.sem_alloc : memref<!tpu.dma_semaphore, #tpu.memory_space<semaphore_mem>>
      %dma_start3A = arith.constant 0 : i32
      %dma_start3A_41 = tpu.memref_slice %arg5[%add3A_27, %dma_start3A] : memref<50048x8xf32, #tpu.memory_space<vmem_shared>> -> memref<391x8xf32, #tpu.memory_space<vmem_shared>>
      %dma_start3A_42 = arith.constant 0 : i32
      %dma_start3A_43 = tpu.memref_slice %arg5[%add3A_27, %dma_start3A_42] : memref<50048x8xf32, #tpu.memory_space<vmem_shared>> -> memref<391x8xf32, #tpu.memory_space<vmem_shared>>
      tpu.enqueue_dma source(%arg6 : memref<391x8xf32, #tpu.memory_space<vmem>>) target(%dma_start3A_43 : memref<391x8xf32, #tpu.memory_space<vmem_shared>>) target_semaphore(%run_scoped3A : memref<!tpu.dma_semaphore, #tpu.memory_space<semaphore_mem>>)
      %dma_wait3A = arith.constant 0 : i32
      %dma_wait3A_44 = tpu.memref_slice %arg5[%add3A_27, %dma_wait3A] : memref<50048x8xf32, #tpu.memory_space<vmem_shared>> -> memref<391x8xf32, #tpu.memory_space<vmem_shared>>
      %dma_wait3A_45 = arith.constant 0 : i32
      %dma_wait3A_46 = tpu.memref_slice %arg5[%add3A_27, %dma_wait3A_45] : memref<50048x8xf32, #tpu.memory_space<vmem_shared>> -> memref<391x8xf32, #tpu.memory_space<vmem_shared>>
      tpu.wait_dma2 semaphore(%run_scoped3A : memref<!tpu.dma_semaphore, #tpu.memory_space<semaphore_mem>>) src(%arg6 : memref<391x8xf32, #tpu.memory_space<vmem>>) dst(%dma_wait3A_46 : memref<391x8xf32, #tpu.memory_space<vmem_shared>>)
      tpu.yield
    }) : () -> ()
    %barrier3A = arith.constant 0 : index
    tpu.barrier barrier_id(%barrier3A)
    %scan3A_28 = arith.constant 0 : i32
    %scan3A_29 = arith.constant 25 : i32
    %scan3A_30 = arith.addi %scan3A_28, %scan3A_29 : i32
    %scan3A_31 = arith.constant 1 : i32
    scf.for %scan3A_41 = %scan3A_28 to %scan3A_30 step %scan3A_31  : i32 {
      %mul3A_42 = arith.constant 1 : i32
      %mul3A_43 = arith.muli %scan3A_41, %mul3A_42 : i32
      %add3A_44 = arith.constant 0 : i32
      %add3A_45 = arith.addi %add3A_44, %mul3A_43 : i32
      %mul3A_46 = arith.constant 16 : i32
      %mul3A_47 = arith.muli %arg0, %mul3A_46 : i32
      %add3A_48 = arith.addi %mul3A_47, %arg1 : i32
      %mul3A_49 = arith.constant 200 : i32
      %mul3A_50 = arith.muli %add3A_48, %mul3A_49 : i32
      %mul3A_51 = arith.constant 8 : i32
      %mul3A_52 = arith.muli %add3A_45, %mul3A_51 : i32
      %add3A_53 = arith.addi %mul3A_50, %mul3A_52 : i32
      "tpu.region"() ({
        %run_scoped3A_61 = tpu.sem_alloc : memref<!tpu.dma_semaphore, #tpu.memory_space<semaphore_mem>>
        %dma_start3A = arith.constant 0 : i32
        %dma_start3A_62 = tpu.memref_slice %arg2[%add3A_53, %dma_start3A] : memref<6400x128xi32, #tpu.memory_space<hbm>> -> memref<8x128xi32, #tpu.memory_space<hbm>>
        %dma_start3A_63 = arith.constant 0 : i32
        %dma_start3A_64 = tpu.memref_slice %arg2[%add3A_53, %dma_start3A_63] : memref<6400x128xi32, #tpu.memory_space<hbm>> -> memref<8x128xi32, #tpu.memory_space<hbm>>
        tpu.enqueue_dma source(%dma_start3A_64 : memref<8x128xi32, #tpu.memory_space<hbm>>) target(%arg7 : memref<8x128xi32, #tpu.memory_space<vmem>>) target_semaphore(%run_scoped3A_61 : memref<!tpu.dma_semaphore, #tpu.memory_space<semaphore_mem>>)
        %dma_wait3A = arith.constant 0 : i32
        %dma_wait3A_65 = tpu.memref_slice %arg2[%add3A_53, %dma_wait3A] : memref<6400x128xi32, #tpu.memory_space<hbm>> -> memref<8x128xi32, #tpu.memory_space<hbm>>
        %dma_wait3A_66 = arith.constant 0 : i32
        %dma_wait3A_67 = tpu.memref_slice %arg2[%add3A_53, %dma_wait3A_66] : memref<6400x128xi32, #tpu.memory_space<hbm>> -> memref<8x128xi32, #tpu.memory_space<hbm>>
        tpu.wait_dma2 semaphore(%run_scoped3A_61 : memref<!tpu.dma_semaphore, #tpu.memory_space<semaphore_mem>>) src(%dma_wait3A_67 : memref<8x128xi32, #tpu.memory_space<hbm>>) dst(%arg7 : memref<8x128xi32, #tpu.memory_space<vmem>>)
        tpu.yield
      }) : () -> ()
      %run_scoped3A = arith.constant 0 : i32
      "tpu.region"() ({
        %run_scoped3A_61 = tpu.sem_alloc : memref<!tpu.dma_semaphore, #tpu.memory_space<semaphore_mem>>
        %dma_start3A = arith.constant 0 : i32
        %dma_start3A_62 = tpu.memref_slice %arg7[%run_scoped3A, %dma_start3A] : memref<8x128xi32, #tpu.memory_space<vmem>> -> memref<1x128xi32, #tpu.memory_space<vmem>>
        %dma_start3A_63 = tpu.memref_squeeze %dma_start3A_62 : memref<1x128xi32, #tpu.memory_space<vmem>> -> memref<128xi32, #tpu.memory_space<vmem>>
        %dma_start3A_64 = arith.constant 0 : i32
        %dma_start3A_65 = arith.constant 0 : i32
        %dma_start3A_66 = tpu.memref_slice %arg5[%dma_start3A_64, %dma_start3A_65] : memref<50048x8xf32, #tpu.memory_space<vmem_shared>> -> memref<50048x8xf32, #tpu.memory_space<vmem_shared>>
        tpu.enqueue_indirect_dma source(%arg8 : memref<128x8xf32, #tpu.memory_space<vmem>>) target(%dma_start3A_66 : memref<50048x8xf32, #tpu.memory_space<vmem_shared>>) offsets(%dma_start3A_63 : memref<128xi32, #tpu.memory_space<vmem>>) semaphore(%run_scoped3A_61 : memref<!tpu.dma_semaphore, #tpu.memory_space<semaphore_mem>>) {add = true}
        %dma_wait3A = arith.constant 0 : i32
        %dma_wait3A_67 = tpu.memref_slice %arg7[%run_scoped3A, %dma_wait3A] : memref<8x128xi32, #tpu.memory_space<vmem>> -> memref<1x128xi32, #tpu.memory_space<vmem>>
        %dma_wait3A_68 = tpu.memref_squeeze %dma_wait3A_67 : memref<1x128xi32, #tpu.memory_space<vmem>> -> memref<128xi32, #tpu.memory_space<vmem>>
        %dma_wait3A_69 = arith.constant 0 : i32
        %dma_wait3A_70 = arith.constant 0 : i32
        %dma_wait3A_71 = tpu.memref_slice %arg5[%dma_wait3A_69, %dma_wait3A_70] : memref<50048x8xf32, #tpu.memory_space<vmem_shared>> -> memref<50048x8xf32, #tpu.memory_space<vmem_shared>>
        tpu.wait_indirect_dma semaphore(%run_scoped3A_61 : memref<!tpu.dma_semaphore, #tpu.memory_space<semaphore_mem>>) src(%arg8 : memref<128x8xf32, #tpu.memory_space<vmem>>) dst(%dma_wait3A_71 : memref<50048x8xf32, #tpu.memory_space<vmem_shared>>)
        tpu.yield
      }) : () -> ()
      %run_scoped3A_54 = arith.constant 1 : i32
      "tpu.region"() ({
        %run_scoped3A_61 = tpu.sem_alloc : memref<!tpu.dma_semaphore, #tpu.memory_space<semaphore_mem>>
        %dma_start3A = arith.constant 0 : i32
        %dma_start3A_62 = tpu.memref_slice %arg7[%run_scoped3A_54, %dma_start3A] : memref<8x128xi32, #tpu.memory_space<vmem>> -> memref<1x128xi32, #tpu.memory_space<vmem>>
        %dma_start3A_63 = tpu.memref_squeeze %dma_start3A_62 : memref<1x128xi32, #tpu.memory_space<vmem>> -> memref<128xi32, #tpu.memory_space<vmem>>
        %dma_start3A_64 = arith.constant 0 : i32
        %dma_start3A_65 = arith.constant 0 : i32
        %dma_start3A_66 = tpu.memref_slice %arg5[%dma_start3A_64, %dma_start3A_65] : memref<50048x8xf32, #tpu.memory_space<vmem_shared>> -> memref<50048x8xf32, #tpu.memory_space<vmem_shared>>
        tpu.enqueue_indirect_dma source(%arg8 : memref<128x8xf32, #tpu.memory_space<vmem>>) target(%dma_start3A_66 : memref<50048x8xf32, #tpu.memory_space<vmem_shared>>) offsets(%dma_start3A_63 : memref<128xi32, #tpu.memory_space<vmem>>) semaphore(%run_scoped3A_61 : memref<!tpu.dma_semaphore, #tpu.memory_space<semaphore_mem>>) {add = true}
        %dma_wait3A = arith.constant 0 : i32
        %dma_wait3A_67 = tpu.memref_slice %arg7[%run_scoped3A_54, %dma_wait3A] : memref<8x128xi32, #tpu.memory_space<vmem>> -> memref<1x128xi32, #tpu.memory_space<vmem>>
        %dma_wait3A_68 = tpu.memref_squeeze %dma_wait3A_67 : memref<1x128xi32, #tpu.memory_space<vmem>> -> memref<128xi32, #tpu.memory_space<vmem>>
        %dma_wait3A_69 = arith.constant 0 : i32
        %dma_wait3A_70 = arith.constant 0 : i32
        %dma_wait3A_71 = tpu.memref_slice %arg5[%dma_wait3A_69, %dma_wait3A_70] : memref<50048x8xf32, #tpu.memory_space<vmem_shared>> -> memref<50048x8xf32, #tpu.memory_space<vmem_shared>>
        tpu.wait_indirect_dma semaphore(%run_scoped3A_61 : memref<!tpu.dma_semaphore, #tpu.memory_space<semaphore_mem>>) src(%arg8 : memref<128x8xf32, #tpu.memory_space<vmem>>) dst(%dma_wait3A_71 : memref<50048x8xf32, #tpu.memory_space<vmem_shared>>)
        tpu.yield
      }) : () -> ()
      %run_scoped3A_55 = arith.constant 2 : i32
      "tpu.region"() ({
        %run_scoped3A_61 = tpu.sem_alloc : memref<!tpu.dma_semaphore, #tpu.memory_space<semaphore_mem>>
        %dma_start3A = arith.constant 0 : i32
        %dma_start3A_62 = tpu.memref_slice %arg7[%run_scoped3A_55, %dma_start3A] : memref<8x128xi32, #tpu.memory_space<vmem>> -> memref<1x128xi32, #tpu.memory_space<vmem>>
        %dma_start3A_63 = tpu.memref_squeeze %dma_start3A_62 : memref<1x128xi32, #tpu.memory_space<vmem>> -> memref<128xi32, #tpu.memory_space<vmem>>
        %dma_start3A_64 = arith.constant 0 : i32
        %dma_start3A_65 = arith.constant 0 : i32
        %dma_start3A_66 = tpu.memref_slice %arg5[%dma_start3A_64, %dma_start3A_65] : memref<50048x8xf32, #tpu.memory_space<vmem_shared>> -> memref<50048x8xf32, #tpu.memory_space<vmem_shared>>
        tpu.enqueue_indirect_dma source(%arg8 : memref<128x8xf32, #tpu.memory_space<vmem>>) target(%dma_start3A_66 : memref<50048x8xf32, #tpu.memory_space<vmem_shared>>) offsets(%dma_start3A_63 : memref<128xi32, #tpu.memory_space<vmem>>) semaphore(%run_scoped3A_61 : memref<!tpu.dma_semaphore, #tpu.memory_space<semaphore_mem>>) {add = true}
        %dma_wait3A = arith.constant 0 : i32
        %dma_wait3A_67 = tpu.memref_slice %arg7[%run_scoped3A_55, %dma_wait3A] : memref<8x128xi32, #tpu.memory_space<vmem>> -> memref<1x128xi32, #tpu.memory_space<vmem>>
        %dma_wait3A_68 = tpu.memref_squeeze %dma_wait3A_67 : memref<1x128xi32, #tpu.memory_space<vmem>> -> memref<128xi32, #tpu.memory_space<vmem>>
        %dma_wait3A_69 = arith.constant 0 : i32
        %dma_wait3A_70 = arith.constant 0 : i32
        %dma_wait3A_71 = tpu.memref_slice %arg5[%dma_wait3A_69, %dma_wait3A_70] : memref<50048x8xf32, #tpu.memory_space<vmem_shared>> -> memref<50048x8xf32, #tpu.memory_space<vmem_shared>>
        tpu.wait_indirect_dma semaphore(%run_scoped3A_61 : memref<!tpu.dma_semaphore, #tpu.memory_space<semaphore_mem>>) src(%arg8 : memref<128x8xf32, #tpu.memory_space<vmem>>) dst(%dma_wait3A_71 : memref<50048x8xf32, #tpu.memory_space<vmem_shared>>)
        tpu.yield
      }) : () -> ()
      %run_scoped3A_56 = arith.constant 3 : i32
      "tpu.region"() ({
        %run_scoped3A_61 = tpu.sem_alloc : memref<!tpu.dma_semaphore, #tpu.memory_space<semaphore_mem>>
        %dma_start3A = arith.constant 0 : i32
        %dma_start3A_62 = tpu.memref_slice %arg7[%run_scoped3A_56, %dma_start3A] : memref<8x128xi32, #tpu.memory_space<vmem>> -> memref<1x128xi32, #tpu.memory_space<vmem>>
        %dma_start3A_63 = tpu.memref_squeeze %dma_start3A_62 : memref<1x128xi32, #tpu.memory_space<vmem>> -> memref<128xi32, #tpu.memory_space<vmem>>
        %dma_start3A_64 = arith.constant 0 : i32
        %dma_start3A_65 = arith.constant 0 : i32
        %dma_start3A_66 = tpu.memref_slice %arg5[%dma_start3A_64, %dma_start3A_65] : memref<50048x8xf32, #tpu.memory_space<vmem_shared>> -> memref<50048x8xf32, #tpu.memory_space<vmem_shared>>
        tpu.enqueue_indirect_dma source(%arg8 : memref<128x8xf32, #tpu.memory_space<vmem>>) target(%dma_start3A_66 : memref<50048x8xf32, #tpu.memory_space<vmem_shared>>) offsets(%dma_start3A_63 : memref<128xi32, #tpu.memory_space<vmem>>) semaphore(%run_scoped3A_61 : memref<!tpu.dma_semaphore, #tpu.memory_space<semaphore_mem>>) {add = true}
        %dma_wait3A = arith.constant 0 : i32
        %dma_wait3A_67 = tpu.memref_slice %arg7[%run_scoped3A_56, %dma_wait3A] : memref<8x128xi32, #tpu.memory_space<vmem>> -> memref<1x128xi32, #tpu.memory_space<vmem>>
        %dma_wait3A_68 = tpu.memref_squeeze %dma_wait3A_67 : memref<1x128xi32, #tpu.memory_space<vmem>> -> memref<128xi32, #tpu.memory_space<vmem>>
        %dma_wait3A_69 = arith.constant 0 : i32
        %dma_wait3A_70 = arith.constant 0 : i32
        %dma_wait3A_71 = tpu.memref_slice %arg5[%dma_wait3A_69, %dma_wait3A_70] : memref<50048x8xf32, #tpu.memory_space<vmem_shared>> -> memref<50048x8xf32, #tpu.memory_space<vmem_shared>>
        tpu.wait_indirect_dma semaphore(%run_scoped3A_61 : memref<!tpu.dma_semaphore, #tpu.memory_space<semaphore_mem>>) src(%arg8 : memref<128x8xf32, #tpu.memory_space<vmem>>) dst(%dma_wait3A_71 : memref<50048x8xf32, #tpu.memory_space<vmem_shared>>)
        tpu.yield
      }) : () -> ()
      %run_scoped3A_57 = arith.constant 4 : i32
      "tpu.region"() ({
        %run_scoped3A_61 = tpu.sem_alloc : memref<!tpu.dma_semaphore, #tpu.memory_space<semaphore_mem>>
        %dma_start3A = arith.constant 0 : i32
        %dma_start3A_62 = tpu.memref_slice %arg7[%run_scoped3A_57, %dma_start3A] : memref<8x128xi32, #tpu.memory_space<vmem>> -> memref<1x128xi32, #tpu.memory_space<vmem>>
        %dma_start3A_63 = tpu.memref_squeeze %dma_start3A_62 : memref<1x128xi32, #tpu.memory_space<vmem>> -> memref<128xi32, #tpu.memory_space<vmem>>
        %dma_start3A_64 = arith.constant 0 : i32
        %dma_start3A_65 = arith.constant 0 : i32
        %dma_start3A_66 = tpu.memref_slice %arg5[%dma_start3A_64, %dma_start3A_65] : memref<50048x8xf32, #tpu.memory_space<vmem_shared>> -> memref<50048x8xf32, #tpu.memory_space<vmem_shared>>
        tpu.enqueue_indirect_dma source(%arg8 : memref<128x8xf32, #tpu.memory_space<vmem>>) target(%dma_start3A_66 : memref<50048x8xf32, #tpu.memory_space<vmem_shared>>) offsets(%dma_start3A_63 : memref<128xi32, #tpu.memory_space<vmem>>) semaphore(%run_scoped3A_61 : memref<!tpu.dma_semaphore, #tpu.memory_space<semaphore_mem>>) {add = true}
        %dma_wait3A = arith.constant 0 : i32
        %dma_wait3A_67 = tpu.memref_slice %arg7[%run_scoped3A_57, %dma_wait3A] : memref<8x128xi32, #tpu.memory_space<vmem>> -> memref<1x128xi32, #tpu.memory_space<vmem>>
        %dma_wait3A_68 = tpu.memref_squeeze %dma_wait3A_67 : memref<1x128xi32, #tpu.memory_space<vmem>> -> memref<128xi32, #tpu.memory_space<vmem>>
        %dma_wait3A_69 = arith.constant 0 : i32
        %dma_wait3A_70 = arith.constant 0 : i32
        %dma_wait3A_71 = tpu.memref_slice %arg5[%dma_wait3A_69, %dma_wait3A_70] : memref<50048x8xf32, #tpu.memory_space<vmem_shared>> -> memref<50048x8xf32, #tpu.memory_space<vmem_shared>>
        tpu.wait_indirect_dma semaphore(%run_scoped3A_61 : memref<!tpu.dma_semaphore, #tpu.memory_space<semaphore_mem>>) src(%arg8 : memref<128x8xf32, #tpu.memory_space<vmem>>) dst(%dma_wait3A_71 : memref<50048x8xf32, #tpu.memory_space<vmem_shared>>)
        tpu.yield
      }) : () -> ()
      %run_scoped3A_58 = arith.constant 5 : i32
      "tpu.region"() ({
        %run_scoped3A_61 = tpu.sem_alloc : memref<!tpu.dma_semaphore, #tpu.memory_space<semaphore_mem>>
        %dma_start3A = arith.constant 0 : i32
        %dma_start3A_62 = tpu.memref_slice %arg7[%run_scoped3A_58, %dma_start3A] : memref<8x128xi32, #tpu.memory_space<vmem>> -> memref<1x128xi32, #tpu.memory_space<vmem>>
        %dma_start3A_63 = tpu.memref_squeeze %dma_start3A_62 : memref<1x128xi32, #tpu.memory_space<vmem>> -> memref<128xi32, #tpu.memory_space<vmem>>
        %dma_start3A_64 = arith.constant 0 : i32
        %dma_start3A_65 = arith.constant 0 : i32
        %dma_start3A_66 = tpu.memref_slice %arg5[%dma_start3A_64, %dma_start3A_65] : memref<50048x8xf32, #tpu.memory_space<vmem_shared>> -> memref<50048x8xf32, #tpu.memory_space<vmem_shared>>
        tpu.enqueue_indirect_dma source(%arg8 : memref<128x8xf32, #tpu.memory_space<vmem>>) target(%dma_start3A_66 : memref<50048x8xf32, #tpu.memory_space<vmem_shared>>) offsets(%dma_start3A_63 : memref<128xi32, #tpu.memory_space<vmem>>) semaphore(%run_scoped3A_61 : memref<!tpu.dma_semaphore, #tpu.memory_space<semaphore_mem>>) {add = true}
        %dma_wait3A = arith.constant 0 : i32
        %dma_wait3A_67 = tpu.memref_slice %arg7[%run_scoped3A_58, %dma_wait3A] : memref<8x128xi32, #tpu.memory_space<vmem>> -> memref<1x128xi32, #tpu.memory_space<vmem>>
        %dma_wait3A_68 = tpu.memref_squeeze %dma_wait3A_67 : memref<1x128xi32, #tpu.memory_space<vmem>> -> memref<128xi32, #tpu.memory_space<vmem>>
        %dma_wait3A_69 = arith.constant 0 : i32
        %dma_wait3A_70 = arith.constant 0 : i32
        %dma_wait3A_71 = tpu.memref_slice %arg5[%dma_wait3A_69, %dma_wait3A_70] : memref<50048x8xf32, #tpu.memory_space<vmem_shared>> -> memref<50048x8xf32, #tpu.memory_space<vmem_shared>>
        tpu.wait_indirect_dma semaphore(%run_scoped3A_61 : memref<!tpu.dma_semaphore, #tpu.memory_space<semaphore_mem>>) src(%arg8 : memref<128x8xf32, #tpu.memory_space<vmem>>) dst(%dma_wait3A_71 : memref<50048x8xf32, #tpu.memory_space<vmem_shared>>)
        tpu.yield
      }) : () -> ()
      %run_scoped3A_59 = arith.constant 6 : i32
      "tpu.region"() ({
        %run_scoped3A_61 = tpu.sem_alloc : memref<!tpu.dma_semaphore, #tpu.memory_space<semaphore_mem>>
        %dma_start3A = arith.constant 0 : i32
        %dma_start3A_62 = tpu.memref_slice %arg7[%run_scoped3A_59, %dma_start3A] : memref<8x128xi32, #tpu.memory_space<vmem>> -> memref<1x128xi32, #tpu.memory_space<vmem>>
        %dma_start3A_63 = tpu.memref_squeeze %dma_start3A_62 : memref<1x128xi32, #tpu.memory_space<vmem>> -> memref<128xi32, #tpu.memory_space<vmem>>
        %dma_start3A_64 = arith.constant 0 : i32
        %dma_start3A_65 = arith.constant 0 : i32
        %dma_start3A_66 = tpu.memref_slice %arg5[%dma_start3A_64, %dma_start3A_65] : memref<50048x8xf32, #tpu.memory_space<vmem_shared>> -> memref<50048x8xf32, #tpu.memory_space<vmem_shared>>
        tpu.enqueue_indirect_dma source(%arg8 : memref<128x8xf32, #tpu.memory_space<vmem>>) target(%dma_start3A_66 : memref<50048x8xf32, #tpu.memory_space<vmem_shared>>) offsets(%dma_start3A_63 : memref<128xi32, #tpu.memory_space<vmem>>) semaphore(%run_scoped3A_61 : memref<!tpu.dma_semaphore, #tpu.memory_space<semaphore_mem>>) {add = true}
        %dma_wait3A = arith.constant 0 : i32
        %dma_wait3A_67 = tpu.memref_slice %arg7[%run_scoped3A_59, %dma_wait3A] : memref<8x128xi32, #tpu.memory_space<vmem>> -> memref<1x128xi32, #tpu.memory_space<vmem>>
        %dma_wait3A_68 = tpu.memref_squeeze %dma_wait3A_67 : memref<1x128xi32, #tpu.memory_space<vmem>> -> memref<128xi32, #tpu.memory_space<vmem>>
        %dma_wait3A_69 = arith.constant 0 : i32
        %dma_wait3A_70 = arith.constant 0 : i32
        %dma_wait3A_71 = tpu.memref_slice %arg5[%dma_wait3A_69, %dma_wait3A_70] : memref<50048x8xf32, #tpu.memory_space<vmem_shared>> -> memref<50048x8xf32, #tpu.memory_space<vmem_shared>>
        tpu.wait_indirect_dma semaphore(%run_scoped3A_61 : memref<!tpu.dma_semaphore, #tpu.memory_space<semaphore_mem>>) src(%arg8 : memref<128x8xf32, #tpu.memory_space<vmem>>) dst(%dma_wait3A_71 : memref<50048x8xf32, #tpu.memory_space<vmem_shared>>)
        tpu.yield
      }) : () -> ()
      %run_scoped3A_60 = arith.constant 7 : i32
      "tpu.region"() ({
        %run_scoped3A_61 = tpu.sem_alloc : memref<!tpu.dma_semaphore, #tpu.memory_space<semaphore_mem>>
        %dma_start3A = arith.constant 0 : i32
        %dma_start3A_62 = tpu.memref_slice %arg7[%run_scoped3A_60, %dma_start3A] : memref<8x128xi32, #tpu.memory_space<vmem>> -> memref<1x128xi32, #tpu.memory_space<vmem>>
        %dma_start3A_63 = tpu.memref_squeeze %dma_start3A_62 : memref<1x128xi32, #tpu.memory_space<vmem>> -> memref<128xi32, #tpu.memory_space<vmem>>
        %dma_start3A_64 = arith.constant 0 : i32
        %dma_start3A_65 = arith.constant 0 : i32
        %dma_start3A_66 = tpu.memref_slice %arg5[%dma_start3A_64, %dma_start3A_65] : memref<50048x8xf32, #tpu.memory_space<vmem_shared>> -> memref<50048x8xf32, #tpu.memory_space<vmem_shared>>
        tpu.enqueue_indirect_dma source(%arg8 : memref<128x8xf32, #tpu.memory_space<vmem>>) target(%dma_start3A_66 : memref<50048x8xf32, #tpu.memory_space<vmem_shared>>) offsets(%dma_start3A_63 : memref<128xi32, #tpu.memory_space<vmem>>) semaphore(%run_scoped3A_61 : memref<!tpu.dma_semaphore, #tpu.memory_space<semaphore_mem>>) {add = true}
        %dma_wait3A = arith.constant 0 : i32
        %dma_wait3A_67 = tpu.memref_slice %arg7[%run_scoped3A_60, %dma_wait3A] : memref<8x128xi32, #tpu.memory_space<vmem>> -> memref<1x128xi32, #tpu.memory_space<vmem>>
        %dma_wait3A_68 = tpu.memref_squeeze %dma_wait3A_67 : memref<1x128xi32, #tpu.memory_space<vmem>> -> memref<128xi32, #tpu.memory_space<vmem>>
        %dma_wait3A_69 = arith.constant 0 : i32
        %dma_wait3A_70 = arith.constant 0 : i32
        %dma_wait3A_71 = tpu.memref_slice %arg5[%dma_wait3A_69, %dma_wait3A_70] : memref<50048x8xf32, #tpu.memory_space<vmem_shared>> -> memref<50048x8xf32, #tpu.memory_space<vmem_shared>>
        tpu.wait_indirect_dma semaphore(%run_scoped3A_61 : memref<!tpu.dma_semaphore, #tpu.memory_space<semaphore_mem>>) src(%arg8 : memref<128x8xf32, #tpu.memory_space<vmem>>) dst(%dma_wait3A_71 : memref<50048x8xf32, #tpu.memory_space<vmem_shared>>)
        tpu.yield
      }) : () -> ()
    }
    %scan3A_32 = arith.constant 25 : i32
    %barrier3A_33 = arith.constant 0 : index
    tpu.barrier barrier_id(%barrier3A_33)
    %eq3A = arith.constant 0 : i32
    %eq3A_34 = arith.cmpi eq, %arg0, %eq3A : i32
    %convert_element_type3A = arith.extui %eq3A_34 : i1 to i32
    %cond3A = arith.constant 0 : i32
    %cond3A_35 = arith.cmpi ne, %convert_element_type3A, %cond3A : i32
    scf.if %cond3A_35 {
      %mul3A_41 = arith.constant 3128 : i32
      %mul3A_42 = arith.muli %arg1, %mul3A_41 : i32
      %ne3A = arith.constant 15 : i32
      %ne3A_43 = arith.cmpi ne, %arg1, %ne3A : i32
      %convert_element_type3A_44 = arith.extui %ne3A_43 : i1 to i32
      %cond3A_45 = arith.constant 0 : i32
      %cond3A_46 = arith.cmpi ne, %convert_element_type3A_44, %cond3A_45 : i32
      scf.if %cond3A_46 {
        "tpu.region"() ({
          %run_scoped3A = tpu.sem_alloc : memref<!tpu.dma_semaphore, #tpu.memory_space<semaphore_mem>>
          %dma_start3A = arith.constant 0 : i32
          %dma_start3A_52 = tpu.memref_slice %arg3[%mul3A_42, %dma_start3A] : memref<50000x8xf32, #tpu.memory_space<hbm>> -> memref<3128x8xf32, #tpu.memory_space<hbm>>
          %dma_start3A_53 = arith.constant 0 : i32
          %dma_start3A_54 = tpu.memref_slice %arg5[%mul3A_42, %dma_start3A_53] : memref<50048x8xf32, #tpu.memory_space<vmem_shared>> -> memref<3128x8xf32, #tpu.memory_space<vmem_shared>>
          tpu.enqueue_dma source(%dma_start3A_54 : memref<3128x8xf32, #tpu.memory_space<vmem_shared>>) target(%dma_start3A_52 : memref<3128x8xf32, #tpu.memory_space<hbm>>) target_semaphore(%run_scoped3A : memref<!tpu.dma_semaphore, #tpu.memory_space<semaphore_mem>>)
          %dma_wait3A = arith.constant 0 : i32
          %dma_wait3A_55 = tpu.memref_slice %arg3[%mul3A_42, %dma_wait3A] : memref<50000x8xf32, #tpu.memory_space<hbm>> -> memref<3128x8xf32, #tpu.memory_space<hbm>>
          %dma_wait3A_56 = arith.constant 0 : i32
          %dma_wait3A_57 = tpu.memref_slice %arg5[%mul3A_42, %dma_wait3A_56] : memref<50048x8xf32, #tpu.memory_space<vmem_shared>> -> memref<3128x8xf32, #tpu.memory_space<vmem_shared>>
          tpu.wait_dma2 semaphore(%run_scoped3A : memref<!tpu.dma_semaphore, #tpu.memory_space<semaphore_mem>>) src(%dma_wait3A_57 : memref<3128x8xf32, #tpu.memory_space<vmem_shared>>) dst(%dma_wait3A_55 : memref<3128x8xf32, #tpu.memory_space<hbm>>)
          tpu.yield
        }) : () -> ()
      } else {
      }
      %eq3A_47 = arith.constant 15 : i32
      %eq3A_48 = arith.cmpi eq, %arg1, %eq3A_47 : i32
      %convert_element_type3A_49 = arith.extui %eq3A_48 : i1 to i32
      %cond3A_50 = arith.constant 0 : i32
      %cond3A_51 = arith.cmpi ne, %convert_element_type3A_49, %cond3A_50 : i32
      scf.if %cond3A_51 {
        "tpu.region"() ({
          %run_scoped3A = tpu.sem_alloc : memref<!tpu.dma_semaphore, #tpu.memory_space<semaphore_mem>>
          %dma_start3A = arith.constant 46920 : i32
          %dma_start3A_52 = arith.constant 0 : i32
          %dma_start3A_53 = tpu.memref_slice %arg3[%dma_start3A, %dma_start3A_52] : memref<50000x8xf32, #tpu.memory_space<hbm>> -> memref<3080x8xf32, #tpu.memory_space<hbm>>
          %dma_start3A_54 = arith.constant 46920 : i32
          %dma_start3A_55 = arith.constant 0 : i32
          %dma_start3A_56 = tpu.memref_slice %arg5[%dma_start3A_54, %dma_start3A_55] : memref<50048x8xf32, #tpu.memory_space<vmem_shared>> -> memref<3080x8xf32, #tpu.memory_space<vmem_shared>>
          tpu.enqueue_dma source(%dma_start3A_56 : memref<3080x8xf32, #tpu.memory_space<vmem_shared>>) target(%dma_start3A_53 : memref<3080x8xf32, #tpu.memory_space<hbm>>) target_semaphore(%run_scoped3A : memref<!tpu.dma_semaphore, #tpu.memory_space<semaphore_mem>>)
          %dma_wait3A = arith.constant 46920 : i32
          %dma_wait3A_57 = arith.constant 0 : i32
          %dma_wait3A_58 = tpu.memref_slice %arg3[%dma_wait3A, %dma_wait3A_57] : memref<50000x8xf32, #tpu.memory_space<hbm>> -> memref<3080x8xf32, #tpu.memory_space<hbm>>
          %dma_wait3A_59 = arith.constant 46920 : i32
          %dma_wait3A_60 = arith.constant 0 : i32
          %dma_wait3A_61 = tpu.memref_slice %arg5[%dma_wait3A_59, %dma_wait3A_60] : memref<50048x8xf32, #tpu.memory_space<vmem_shared>> -> memref<3080x8xf32, #tpu.memory_space<vmem_shared>>
          tpu.wait_dma2 semaphore(%run_scoped3A : memref<!tpu.dma_semaphore, #tpu.memory_space<semaphore_mem>>) src(%dma_wait3A_61 : memref<3080x8xf32, #tpu.memory_space<vmem_shared>>) dst(%dma_wait3A_58 : memref<3080x8xf32, #tpu.memory_space<hbm>>)
          tpu.yield
        }) : () -> ()
      } else {
      }
    } else {
    }
    %eq3A_36 = arith.constant 1 : i32
    %eq3A_37 = arith.cmpi eq, %arg0, %eq3A_36 : i32
    %convert_element_type3A_38 = arith.extui %eq3A_37 : i1 to i32
    %cond3A_39 = arith.constant 0 : i32
    %cond3A_40 = arith.cmpi ne, %convert_element_type3A_38, %cond3A_39 : i32
    scf.if %cond3A_40 {
      %mul3A_41 = arith.constant 3128 : i32
      %mul3A_42 = arith.muli %arg1, %mul3A_41 : i32
      %ne3A = arith.constant 15 : i32
      %ne3A_43 = arith.cmpi ne, %arg1, %ne3A : i32
      %convert_element_type3A_44 = arith.extui %ne3A_43 : i1 to i32
      %cond3A_45 = arith.constant 0 : i32
      %cond3A_46 = arith.cmpi ne, %convert_element_type3A_44, %cond3A_45 : i32
      scf.if %cond3A_46 {
        "tpu.region"() ({
          %run_scoped3A = tpu.sem_alloc : memref<!tpu.dma_semaphore, #tpu.memory_space<semaphore_mem>>
          %dma_start3A = arith.constant 0 : i32
          %dma_start3A_52 = tpu.memref_slice %arg4[%mul3A_42, %dma_start3A] : memref<50000x8xf32, #tpu.memory_space<hbm>> -> memref<3128x8xf32, #tpu.memory_space<hbm>>
          %dma_start3A_53 = arith.constant 0 : i32
          %dma_start3A_54 = tpu.memref_slice %arg5[%mul3A_42, %dma_start3A_53] : memref<50048x8xf32, #tpu.memory_space<vmem_shared>> -> memref<3128x8xf32, #tpu.memory_space<vmem_shared>>
          tpu.enqueue_dma source(%dma_start3A_54 : memref<3128x8xf32, #tpu.memory_space<vmem_shared>>) target(%dma_start3A_52 : memref<3128x8xf32, #tpu.memory_space<hbm>>) target_semaphore(%run_scoped3A : memref<!tpu.dma_semaphore, #tpu.memory_space<semaphore_mem>>)
          %dma_wait3A = arith.constant 0 : i32
          %dma_wait3A_55 = tpu.memref_slice %arg4[%mul3A_42, %dma_wait3A] : memref<50000x8xf32, #tpu.memory_space<hbm>> -> memref<3128x8xf32, #tpu.memory_space<hbm>>
          %dma_wait3A_56 = arith.constant 0 : i32
          %dma_wait3A_57 = tpu.memref_slice %arg5[%mul3A_42, %dma_wait3A_56] : memref<50048x8xf32, #tpu.memory_space<vmem_shared>> -> memref<3128x8xf32, #tpu.memory_space<vmem_shared>>
          tpu.wait_dma2 semaphore(%run_scoped3A : memref<!tpu.dma_semaphore, #tpu.memory_space<semaphore_mem>>) src(%dma_wait3A_57 : memref<3128x8xf32, #tpu.memory_space<vmem_shared>>) dst(%dma_wait3A_55 : memref<3128x8xf32, #tpu.memory_space<hbm>>)
          tpu.yield
        }) : () -> ()
      } else {
      }
      %eq3A_47 = arith.constant 15 : i32
      %eq3A_48 = arith.cmpi eq, %arg1, %eq3A_47 : i32
      %convert_element_type3A_49 = arith.extui %eq3A_48 : i1 to i32
      %cond3A_50 = arith.constant 0 : i32
      %cond3A_51 = arith.cmpi ne, %convert_element_type3A_49, %cond3A_50 : i32
      scf.if %cond3A_51 {
        "tpu.region"() ({
          %run_scoped3A = tpu.sem_alloc : memref<!tpu.dma_semaphore, #tpu.memory_space<semaphore_mem>>
          %dma_start3A = arith.constant 46920 : i32
          %dma_start3A_52 = arith.constant 0 : i32
          %dma_start3A_53 = tpu.memref_slice %arg4[%dma_start3A, %dma_start3A_52] : memref<50000x8xf32, #tpu.memory_space<hbm>> -> memref<3080x8xf32, #tpu.memory_space<hbm>>
          %dma_start3A_54 = arith.constant 46920 : i32
          %dma_start3A_55 = arith.constant 0 : i32
          %dma_start3A_56 = tpu.memref_slice %arg5[%dma_start3A_54, %dma_start3A_55] : memref<50048x8xf32, #tpu.memory_space<vmem_shared>> -> memref<3080x8xf32, #tpu.memory_space<vmem_shared>>
          tpu.enqueue_dma source(%dma_start3A_56 : memref<3080x8xf32, #tpu.memory_space<vmem_shared>>) target(%dma_start3A_53 : memref<3080x8xf32, #tpu.memory_space<hbm>>) target_semaphore(%run_scoped3A : memref<!tpu.dma_semaphore, #tpu.memory_space<semaphore_mem>>)
          %dma_wait3A = arith.constant 46920 : i32
          %dma_wait3A_57 = arith.constant 0 : i32
          %dma_wait3A_58 = tpu.memref_slice %arg4[%dma_wait3A, %dma_wait3A_57] : memref<50000x8xf32, #tpu.memory_space<hbm>> -> memref<3080x8xf32, #tpu.memory_space<hbm>>
          %dma_wait3A_59 = arith.constant 46920 : i32
          %dma_wait3A_60 = arith.constant 0 : i32
          %dma_wait3A_61 = tpu.memref_slice %arg5[%dma_wait3A_59, %dma_wait3A_60] : memref<50048x8xf32, #tpu.memory_space<vmem_shared>> -> memref<3080x8xf32, #tpu.memory_space<vmem_shared>>
          tpu.wait_dma2 semaphore(%run_scoped3A : memref<!tpu.dma_semaphore, #tpu.memory_space<semaphore_mem>>) src(%dma_wait3A_61 : memref<3080x8xf32, #tpu.memory_space<vmem_shared>>) dst(%dma_wait3A_58 : memref<3080x8xf32, #tpu.memory_space<hbm>>)
          tpu.yield
        }) : () -> ()
      } else {
      }
    } else {
    }
    return
  }
}

</mosaic_0001>

<sc_bundles>
// kernel: _deg.3.cloned.1.call-start
scs
__scs_entry_jumppad:
0x0: {  	(pc) =	sbr.rel $0x88, $3  }
0x1: {  	(tag) =	ssettag $0x0;
	lr =	simm.s32 $0x1  }
0x2: {  	[smem:$0x3FA0] =	sst lr;
	_ =	strace $0xD0000000  }
0x3: {  	_ = 	snop  }
0x4: {  	_ = 	snop  }
0x5: {  	_ = 	snop  }
0x6: {  	_ = 	snop  }
0x7: {  	_ = 	snop  }
__scs_overlays_trampoline_lowered:
0x8: {  	[smem:$0x3FAF] =	sst s0  }
0x9: {  	[smem:$0x3FB0] =	sst s1  }
0xa: {  	[smem:$0x3FB1] =	sst s2  }
0xb: {  	[smem:$0x3FB2] =	sst s3  }
0xc: {  	[smem:$0x3FB3] =	sst s4  }
0xd: {  	[smem:$0x3FB4] =	sst s5  }
0xe: {  	[smem:$0x3FB5] =	sst s6  }
0xf: {  	[smem:$0x3FB6] =	sst s7  }
0x10: {  	[smem:$0x3FB7] =	sst s8  }
0x11: {  	[smem:$0x3FB8] =	sst s9;
	s0 =	simm.s32 @!p0 $0x0  }
0x12: {  	s1 =	sld [smem:$0x3F9E];
	s0 =	simm.s32 @p0 $0x1  }
0x13: {  	[smem:$0x3FB9] =	sst s0;
	s0 =	simm.s32 @!p1 $0x0  }
0x14: {  	s2 =	sld [smem:$0x3F9D];
	s0 =	simm.s32 @p1 $0x1  }
0x15: {  	[smem:$0x3FBA] =	sst s0;
	s0 =	simm.s32 @!p2 $0x0  }
0x16: {  	s3 =	sld [smem:$0x3FDB];
	s0 =	simm.s32 @p2 $0x1  }
0x17: {  	s4 =	simm.s32 $0x1BF5;
	[smem:$0x3FBC] =	sst s0  }
0x18: {  	s0 =	sld [smem:$0x3F9F];
	_ =	swait.ge [sflag:s4], $0x0  }
0x19: {  	s7 =	sld [smem:$0x3FA0]  }
0x1a: {  	s8 =	sadd.s32 $0xFFFFE003, lr  }
0x1b: {  	s9 =	sadd.s32 $0xFFFFFEF7, lr;
	s5 =	simm.s32 $0xFFFFFFFF;
	p2 =	slt.u32 s8, $0xFFFFF086  }
0x1c: {  	p1 =	slt.u32 s9, $0xF7A;
	s5 =	simm.s32 @!p2 $0x0  }
0x1d: {  	s5 =	simm.s32 @p1 $0x1;
	p0 =	seq.s32 s7, s2  }
0x1e: {  	s7 =	smul.u32 @!p0 $0xF7A, s2;
	p2 =	seq.s32 @!p0 s5, $0x0  }
0x1f: {  	s9 =	smul.u32 $0xF7A, s1;
	s8 =	simm.s32 @!p0 $0x1BF5;
	p2 =	por !p2, p0  }
0x20: {  	[sflag:s8] =	ssyncset.s32 @!p0 $0xFFFFF086;
	s6 =	sadd.s32 @!p0 s3, s7;
	s7 =	simm.s32 @!p0 $0x108  }
0x21: {  	s3 =	sadd.s32 s3, s9;
	s6 =	sadd.s32 @!p0 $0x88, s6;
	s7 =	simm.s32 @p2 $0x1082  }
0x22: {  	[simem:s7], [sflag:s8] =	dma.local @!p0 [hbm:s6], $0xF7A  }
0x23: {  	s9 =	sor.u32 $0xD0000000, s2;
	s6 =	simm.s32 $0x108;
	_ =	swait.ge @!p0 [sflag:s8], $0x0  }
0x24: {  	s3 =	sadd.s32 $0x88, s3;
	s6 =	simm.s32 @!p1 $0x1082;
	[sflag:s4] =	ssyncset.s32 $0xFFFFF086  }
0x25: {  	[simem:s6], [sflag:s4] =	dma.local [hbm:s3], $0xF7A  }
0x26: {  	[smem:$0x3FA0] =	sst s1;
	(tag) =	ssettag s2;
	_ =	strace s9  }
0x27: {  	s1 =	sld [smem:$0x3FB0]  }
0x28: {  	s2 =	sld [smem:$0x3FB1]  }
0x29: {  	s4 =	sld [smem:$0x3FB3]  }
0x2a: {  	p0 =	seq.s32 s5, $0x0;
	s5 =	sld [smem:$0x3FB4]  }
0x2b: {  	s6 =	sld [smem:$0x3FB5]  }
0x2c: {  	s7 =	sld [smem:$0x3FB6]  }
0x2d: {  	s3 =	simm.s32 $0x108;
	s8 =	sld [smem:$0x3FB7]  }
0x2e: {  	s3 =	simm.s32 @!p0 $0x1082;
	s9 =	sld [smem:$0x3FB8]  }
0x2f: {  	lr =	sadd.s32 s0, s3;
	s0 =	sld [smem:$0x3FAF]  }
0x30: {  	s3 =	sld [smem:$0x3FB2]  }
0x31: {  	[smem:$0x3FBB] =	sst s10  }
0x32: {  	s10 =	sld [smem:$0x3FB9];
	_ =	sdelay $0x3  }
0x33: {  	p0 =	seq.s32 s10, $0x1;
	s10 =	sld [smem:$0x3FBB];
	_ =	sdelay $0x3  }
0x34: {  	[smem:$0x3FBB] =	sst s10  }
0x35: {  	s10 =	sld [smem:$0x3FBA];
	_ =	sdelay $0x3  }
0x36: {  	p1 =	seq.s32 s10, $0x1;
	s10 =	sld [smem:$0x3FBB];
	_ =	sdelay $0x3  }
0x37: {  	[smem:$0x3FBB] =	sst s10  }
0x38: {  	s10 =	sld [smem:$0x3FBC]  }
0x39: {  	_ = 	snop;
	(pc) =	sbr.ind lr, $3  }
0x3a: {  	_ = 	snop  }
0x3b: {  	_ = 	snop  }
0x3c: {  	p2 =	seq.s32 s10, $0x1;
	s10 =	sld [smem:$0x3FBB]  }
0x3d: {  	_ =	shalt  }
0x3e: {  	_ =	shalt  }
0x3f: {  	_ =	shalt  }
0x40: {  	_ =	shalt  }
0x41: {  	_ =	shalt  }
0x42: {  	_ =	shalt  }
0x43: {  	_ =	shalt  }
0x44: {  	_ =	shalt  }
0x45: {  	_ =	shalt  }
0x46: {  	_ =	shalt  }
0x47: {  	_ =	shalt  }
0x48: {  	_ =	shalt  }
0x49: {  	_ =	shalt  }
0x4a: {  	_ =	shalt  }
0x4b: {  	_ =	shalt  }
0x4c: {  	_ =	shalt  }
0x4d: {  	_ =	shalt  }
0x4e: {  	_ =	shalt  }
0x4f: {  	_ =	shalt  }
0x50: {  	_ =	shalt  }
0x51: {  	_ =	shalt  }
0x52: {  	_ =	shalt  }
0x53: {  	_ =	shalt  }
0x54: {  	_ =	shalt  }
0x55: {  	_ =	shalt  }
0x56: {  	_ =	shalt  }
0x57: {  	_ =	shalt  }
0x58: {  	_ =	shalt  }
0x59: {  	_ =	shalt  }
0x5a: {  	_ =	shalt  }
0x5b: {  	_ =	shalt  }
0x5c: {  	_ =	shalt  }
0x5d: {  	_ =	shalt  }
0x5e: {  	_ =	shalt  }
0x5f: {  	_ =	shalt  }
0x60: {  	_ =	shalt  }
0x61: {  	_ =	shalt  }
0x62: {  	_ =	shalt  }
0x63: {  	_ =	shalt  }
0x64: {  	_ =	shalt  }
0x65: {  	_ =	shalt  }
0x66: {  	_ =	shalt  }
0x67: {  	_ =	shalt  }
0x68: {  	_ =	shalt  }
0x69: {  	_ =	shalt  }
0x6a: {  	_ =	shalt  }
0x6b: {  	_ =	shalt  }
0x6c: {  	_ =	shalt  }
0x6d: {  	_ =	shalt  }
0x6e: {  	_ =	shalt  }
0x6f: {  	_ =	shalt  }
0x70: {  	_ =	shalt  }
0x71: {  	_ =	shalt  }
0x72: {  	_ =	shalt  }
0x73: {  	_ =	shalt  }
0x74: {  	_ =	shalt  }
0x75: {  	_ =	shalt  }
0x76: {  	_ =	shalt  }
0x77: {  	_ =	shalt  }
0x78: {  	_ =	shalt  }
0x79: {  	_ =	shalt  }
0x7a: {  	_ =	shalt  }
0x7b: {  	_ =	shalt  }
0x7c: {  	_ =	shalt  }
0x7d: {  	_ =	shalt  }
0x7e: {  	_ =	shalt  }
0x7f: {  	_ =	shalt  }
0x80: {  	_ =	shalt  }
0x81: {  	_ =	shalt  }
0x82: {  	_ =	shalt  }
0x83: {  	_ =	shalt  }
0x84: {  	_ =	shalt  }
0x85: {  	_ =	shalt  }
0x86: {  	_ =	shalt  }
0x87: {  	_ =	shalt  }
.Lfunc_end0:
.L_simem_size_0:
called_computation_lowered:
.L_overlay_start_0:
0x88: {  	s2 =	sld [smem:$0x3FD9]  }
0x89: {  	s3 =	sld [smem:$0x3FFE];
	_ =	sdelay $0x1  }
0x8a: {  	s1 =	srdreg.scid  }
0x8b: {  	s0 =	sand.u32 $0x1, s1  }
0x8c: {  	s15 =	sshll.u32 s0, $0xA;
	s2 =	sadd.s32 s3, s2  }
0x8d: {  	s2 =	sadd.s32 s2, s15  }
0x8e: {  	[smem:$0x3FC7] =	sst s2  }
0x8f: {  	_ = 	snop  }
0x90: {  	s2 =	sld [smem:$0x3FD0];
	_ =	sdelay $0x2  }
0x91: {  	s4 =	simm.s32 $0xA;
	s5 =	simm.s32 $0x10;
	s16 =	sld [smem:$0x3FC9]  }
0x92: {  	[smem:s5], [sflag:s4] =	dma.local [hbm:s2], $0x1  }
0x93: {  	_ =	swait.eq [sflag:s4], $0x1  }
0x94: {  	[sflag:s4] =	ssyncset.done $0x0  }
0x95: {  	s17 =	sld [smem:$0x10];
	[sflag:s4] =	ssyncadd.s32 $0xFFFFFFFF  }
0x96: {  	s18 =	sld [smem:$0x11];
	(tm) =	ssettm $0x1  }
0x97: {  	s19 =	sld [smem:$0x3FFB];
	_ =	sdelay $0x3  }
0x98: {  	_ =	strace s19  }
0x99: {  	s5 =	sld [smem:$0x3FFC];
	_ =	sdelay $0x3  }
0x9a: {  	_ =	strace s5  }
0x9b: {  	s5 =	sld [smem:$0x3FFD];
	_ =	sdelay $0x3  }
0x9c: {  	_ =	strace s5  }
0x9d: {  	_ =	strace $0x8FFFFFFF  }
0x9e: {  	s20 =	sld [smem:$0x3FDB];
	_ =	sdelay $0x1  }
0x9f: {  	s6 =	simm.s32 $_scs_section_size  }
0xa0: {  	s7 =	simm.s32 $_size__tile_overlayer_lowered;
	s8 =	simm.s32 $_tile_overlayer_lowered  }
0xa1: {  	s23 =	simm.s32 $0x1BFF;
	s22 =	sshll.u32 s8, $0x1;
	s5 =	sadd.s32 s6, s20  }
0xa2: {  	s9 =	simm.s32 $0x0;
	s21 =	sshll.u32 s7, $0x1;
	s7 =	sadd.s32 s22, s5  }
0xa3: {  	[timem:s9], [sflag:s23] =	dma.local [hbm:s7], s21  }
0xa4: {  	_ =	swait.ge [sflag:s23], s21  }
0xa5: {  	s6 =	ssub.s32 $0x0, s21;
	[sflag:s23] =	ssyncset.done $0x0  }
0xa6: {  	[sflag:s23] =	ssyncadd.s32 s6;
	_ =	sdelay $0x1  }
0xa7: {  	s24 =	simm.s32 $0x1B8B  }
0xa8: {  	_ =	swait.ge [sflag:s24], $0x1  }
0xa9: {  	[sflag:s24] =	ssyncset.done $0x0  }
0xaa: {  	s25 =	simm.s32 $0x1B8E;
	[sflag:s24] =	ssyncadd.s32 $0xFFFFFFFF  }
0xab: {  	s26 =	simm.s32 $execute0_lowered;
	[smem:$0x3FD2] =	sst s25  }
0xac: {  	s6 =	sshll.u32 s26, $0x1;
	_ =	strace $0x80000046;
	[dreg:$0x1] =	wrdreg $0xFFFFFFFF  }
0xad: {  	s28 =	simm.s32 $_size_execute0_lowered;
	s5 =	sadd.s32 s5, s6;
	[dreg:$0x0] =	wrdreg $0x0  }
0xae: {  	s6 =	sshll.u32 s28, $0x1;
	[dreg:$0x2] =	wrdreg s5  }
0xaf: {  	[dreg:$0x3] =	wrdreg s6  }
0xb0: {  	[dreg:$0x4] =	wrdreg $0xC0  }
0xb1: {  	_ =	task [dreg:s9], $0x5FFFF  }
0xb2: {  	[dreg:$0x1] =	wrdreg $0xFFFFFFFF  }
0xb3: {  	[dreg:$0x0] =	wrdreg $0x60  }
0xb4: {  	[dreg:$0x2] =	wrdreg s16  }
0xb5: {  	[dreg:$0x3] =	wrdreg s17  }
0xb6: {  	[dreg:$0x4] =	wrdreg s18  }
0xb7: {  	[dreg:$0x5] =	wrdreg $0x0  }
0xb8: {  	[dreg:$0x6] =	wrdreg $0x9  }
0xb9: {  	_ =	task.clear_ibuf [dreg:s9], $0x7FFFF;
	_ =	strace $0x90000046  }
0xba: {  	s29 =	simm.s32 $0x9;
	_ =	strace $0x80000048  }
0xbb: {  	_ =	swait.ge [sflag:s29], $0x1  }
0xbc: {  	[sflag:s29] =	ssyncadd.s32 $0xFFFFFFFF  }
0xbd: {  	_ =	strace $0x90000048  }
0xbe: {  	_ =	sfence  }
0xbf: {  	s30 =	sld [smem:$0x0];
	_ =	sdelay $0x2  }
0xc0: {  	s31 =	sshll.u32 s1, $0xD;
	s1 =	sshrl.u32 s1, $0x2  }
0xc1: {  	s3 =	sand.u32 $0x4000, s31;
	s1 =	sadd.s32 s1, s30  }
0xc2: {  	s0 =	sor.u32 s3, s0;
	s1 =	sshll.u32 s1, $0x11  }
0xc3: {  	s0 =	sor.u32 s1, s0  }
0xc4: {  	s0 =	sadd.s32 $0x8F2B, s0  }
0xc5: {  	[sflag:s0] =	ssyncadd.remote.s32 $0x1  }
0xc6: {  	_ =	sfence.sel $0xFFFF  }
0xc7: {  	[dreg:$0x0] =	wrdreg $0xFFFFFFFF;
	(pc) =	sbr.abs _section_cstart, $3  }
0xc8: {  	[dreg:$0x1] =	wrdreg $0xFFFFFFFF  }
0xc9: {  	_ =	task.clear_ibuf [dreg:s9], $0x2FFFF;
	_ =	strace $0x9FFFFFFF  }
0xca: {  	(tm) =	ssettm $0x7FFFFFFF  }
0xcb: {  	_ =	shalt  }
tec
execute0_lowered:
.L_overlay_start_1:
0x0: {  	(tag) =	ssettag $0x1  }
0x1: {  	s0 =	rddreg [dreg:$0x0]  }
0x2: {  	s5 =	rddreg [dreg:$0x1]  }
0x3: {  	s6 =	rddreg [dreg:$0x2]  }
0x4: {  	s2 =	rddreg [dreg:$0x3]  }
0x5: {  	s4 =	srdreg.scid;
	s1 =	stileid.u32;
	s3 =	simm.s32 $0x0  }
0x6: {  	s19 =	simm.s32 $0x61C0;
	s20 =	simm.s32 $0x1;
	s28 =	simm.s32 $0x6FF8  }
0x7: {  	s29 =	simm.s32 $0x7078;
	s30 =	simm.s32 $0x70F8;
	s21 =	smul.u32 $0x18700, s1  }
0x8: {  	s31 =	simm.s32 $0x7178;
	s7 =	sand.u32 $0x1, s4;
	s11 =	smul.u32 $0x61C0, s1  }
0x9: {  	[smem:$0x7FF] =	sst s3;
	s18 =	smul.u32 $0x6400, s1;
	s13 =	sadd.s32 $0xB748, s5  }
0xa: {  	s14 =	sadd.s32 $0x5BA40, s2;
	s8 =	ssub.s32 $0x2, s7;
	_ =	strace $0x80000047  }
0xb: {  	s15 =	smul.u32 $0x64000, s7;
	p3 =	seq.s32 s7, $0x1;
	s9 =	sshrl.u32 s8, $0x1  }
0xc: {  	s10 =	sshrl.u32 s21, $0x2;
	s4 =	sadd.s32 s11, s2;
	s16 =	sshrl.u32 s11, $0x3  }
0xd: {  	s21 =	simm.s32 $0x6DF8;
	p1 =	seq.s32 @p3 s1, $0xF;
	p4 =	seq.s32 @!p3 s1, $0xF  }
0xe: {  	s17 =	ssub.s32 s8, s9;
	s12 =	sadd.s32 s10, s2;
	s26 =	sadd.s32 s18, s15  }
0xf: {  	s15 =	sadd.s32 s6, s16;
	p0 =	por !p1, !p3;
	p1 =	por p1, !p3  }
0x10: {  	p2 =	por !p4, p3;
	p3 =	por p4, p3;
	s22 =	sadd.s32 $0xC38, s12  }
0x11: {  	s23 =	sadd.s32 $0x1870, s12;
	s24 =	sadd.s32 $0x24A8, s12;
	s25 =	sadd.s32 $0x30E0, s12  }
0x12: {  	s9 =	sadd.s32 $0x3D18, s12;
	s10 =	sadd.s32 $0x4950, s12;
	[dreg:$0x5] =	wrdreg s22  }
0x13: {  	s11 =	sadd.s32 $0x5588, s12;
	s12 =	sadd.s32 s5, s16;
	[dreg:$0x6] =	wrdreg s23  }
0x14: {  	s16 =	sadd.s32 $0xB748, s6;
	s5 =	sshrl.u32 s26, $0x3;
	[dreg:$0x7] =	wrdreg s24  }
0x15: {  	s17 =	smax.u32 s17, $0x1;
	s26 =	simm.s32 $0x6F78;
	[dreg:$0x8] =	wrdreg s25  }
0x16: {  	s18 =	sadd.s32 s5, s0;
	s22 =	simm.s32 $0x80;
	s23 =	simm.s32 $0x71F8  }
0x17: {  	v0 =	vimm.f32 $1.000000000e+00;
	v1 =	vimm.f32 $0.0e+00;
	s24 =	simm.s32 $0x6E78;
	s25 =	simm.s32 $0x6EF8;
	s0 =	simm.s32 $0x0  }
.LBB2_1:
0x18: {  	s5 =	simm.s32 $0x0  }
.LBB2_2:
0x19: {  	p4 =	sne.s32 s5, $0x7E0  }
.Ltmp0:
0x1a: {  	_ = 	snop;
	(pc) =	sbr.rel @p4 .LBB2_2-.Ltmp0, $3  }
0x1b: {  	_ =	sdelay $0x1  }
0x1c: {  	s6 =	sshra.s32 s5, $0x2  }
0x1d: {  	s5 =	sadd.s32 $0x20, s5;
	[tilespmem:s6+$0x71F8] =	vst v0  }
0x1e: {  	s5 =	simm.s32 $0x20;
	s6 =	simm.s32 $0x0  }
.LBB2_4:
0x1f: {  	p4 =	sne.s32 s5, $0x30C0;
	[tilespmem:s6+$0x61C0] =	vst v1;
	s6 =	smov.u32 s5;
	s5 =	sadd.s32 $0x20, s5  }
.Ltmp1:
0x20: {  	(pc) =	sbr.rel @p4 .LBB2_4-.Ltmp1, $2  }
0x21: {  	_ =	sdelay $0x2  }
0x22: {  	s6 =	sshra.s32 s6, $0x2  }
0x23: {  	[tilespmem:s6+$0x61C0] =	vst v1  }
0x24: {  	[spmem:s4] =	stream.linear.scatter [tilespmem:s19], [sflag:$0x1], $0xC38, $0x38;
	[tilespmem:$0x75F8] =	vst v63  }
0x25: {  	_ =	swait.ge [sflag:s20], $0xC38  }
0x26: {  	[sflag:s20] =	ssyncset.done $0x0  }
0x27: {  	s5 =	rddreg [dreg:$0x5];
	[sflag:s20] =	ssyncadd.s32 $0xFFFFF3C8  }
0x28: {  	[spmem:s5] =	stream.linear.scatter [tilespmem:s19], [sflag:$0x1], $0xC38, $0x38;
	[tilespmem:$0x75F8] =	vst v63  }
0x29: {  	_ =	swait.ge [sflag:s20], $0xC38  }
0x2a: {  	[sflag:s20] =	ssyncset.done $0x0  }
0x2b: {  	s8 =	rddreg [dreg:$0x6];
	[sflag:s20] =	ssyncadd.s32 $0xFFFFF3C8  }
0x2c: {  	[spmem:s8] =	stream.linear.scatter [tilespmem:s19], [sflag:$0x1], $0xC38, $0x38;
	[tilespmem:$0x75F8] =	vst v63  }
0x2d: {  	_ =	swait.ge [sflag:s20], $0xC38  }
0x2e: {  	[sflag:s20] =	ssyncset.done $0x0  }
0x2f: {  	s6 =	rddreg [dreg:$0x7];
	[sflag:s20] =	ssyncadd.s32 $0xFFFFF3C8  }
0x30: {  	[spmem:s6] =	stream.linear.scatter [tilespmem:s19], [sflag:$0x1], $0xC38, $0x38;
	[tilespmem:$0x75F8] =	vst v63  }
0x31: {  	_ =	swait.ge [sflag:s20], $0xC38  }
0x32: {  	[sflag:s20] =	ssyncset.done $0x0  }
0x33: {  	s7 =	rddreg [dreg:$0x8];
	[sflag:s20] =	ssyncadd.s32 $0xFFFFF3C8  }
0x34: {  	[spmem:s7] =	stream.linear.scatter [tilespmem:s19], [sflag:$0x1], $0xC38, $0x38;
	[tilespmem:$0x75F8] =	vst v63  }
0x35: {  	_ =	swait.ge [sflag:s20], $0xC38  }
0x36: {  	[sflag:s20] =	ssyncset.done $0x0  }
0x37: {  	[sflag:s20] =	ssyncadd.s32 $0xFFFFF3C8  }
0x38: {  	[spmem:s9] =	stream.linear.scatter [tilespmem:s19], [sflag:$0x1], $0xC38, $0x38;
	[tilespmem:$0x75F8] =	vst v63  }
0x39: {  	_ =	swait.ge [sflag:s20], $0xC38  }
0x3a: {  	[sflag:s20] =	ssyncset.done $0x0  }
0x3b: {  	[sflag:s20] =	ssyncadd.s32 $0xFFFFF3C8  }
0x3c: {  	[spmem:s10] =	stream.linear.scatter [tilespmem:s19], [sflag:$0x1], $0xC38, $0x38;
	[tilespmem:$0x75F8] =	vst v63  }
0x3d: {  	_ =	swait.ge [sflag:s20], $0xC38  }
0x3e: {  	[sflag:s20] =	ssyncset.done $0x0  }
0x3f: {  	[sflag:s20] =	ssyncadd.s32 $0xFFFFF3C8  }
0x40: {  	[spmem:s11] =	stream.linear.scatter [tilespmem:s19], [sflag:$0x1], $0xC38, $0x38;
	[tilespmem:$0x75F8] =	vst v63  }
0x41: {  	_ =	swait.ge [sflag:s20], $0xC38  }
0x42: {  	[sflag:s20] =	ssyncset.done $0x0  }
0x43: {  	[sflag:s20] =	ssyncadd.s32 $0xFFFFF3C8  }
0x44: {  	s8 =	sadd.s32 $0x0, s18;
	[bflag:$0x0] =	sbarrier.arrive $0xFFFF  }
0x45: {  	[tilespmem:s21], [sflag:$0x1] =	stream.linear.gather [hbm4b:s8+s3], $0x400, $0x38;
	[tilespmem:$0x75F8] =	vst v63  }
0x46: {  	_ =	swait.ge [sflag:s20], $0x400  }
0x47: {  	[sflag:s20] =	ssyncset.done $0x0  }
0x48: {  	[sflag:s20] =	ssyncadd.s32 $0xFFFFFC00  }
0x49: {  	[spmem:s2] =	stream.indirect.scatter.add.f32 [tilespmem:s23], [sflag:$0x1], $0x8, s21, s22, $0xb8;
	[tilespmem:$0x75F8] =	vst v63  }
0x4a: {  	_ =	swait.ge [sflag:s20], $0x400  }
0x4b: {  	[sflag:s20] =	ssyncset.done $0x0  }
0x4c: {  	[sflag:s20] =	ssyncadd.s32 $0xFFFFFC00  }
0x4d: {  	[spmem:s2] =	stream.indirect.scatter.add.f32 [tilespmem:s23], [sflag:$0x1], $0x8, s24, s22, $0xb8;
	[tilespmem:$0x75F8] =	vst v63  }
0x4e: {  	_ =	swait.ge [sflag:s20], $0x400  }
0x4f: {  	[sflag:s20] =	ssyncset.done $0x0  }
0x50: {  	[sflag:s20] =	ssyncadd.s32 $0xFFFFFC00  }
0x51: {  	[spmem:s2] =	stream.indirect.scatter.add.f32 [tilespmem:s23], [sflag:$0x1], $0x8, s25, s22, $0xb8;
	[tilespmem:$0x75F8] =	vst v63  }
0x52: {  	_ =	swait.ge [sflag:s20], $0x400  }
0x53: {  	[sflag:s20] =	ssyncset.done $0x0  }
0x54: {  	[sflag:s20] =	ssyncadd.s32 $0xFFFFFC00  }
0x55: {  	[spmem:s2] =	stream.indirect.scatter.add.f32 [tilespmem:s23], [sflag:$0x1], $0x8, s26, s22, $0xb8;
	[tilespmem:$0x75F8] =	vst v63  }
0x56: {  	_ =	swait.ge [sflag:s20], $0x400  }
0x57: {  	[sflag:s20] =	ssyncset.done $0x0  }
0x58: {  	[sflag:s20] =	ssyncadd.s32 $0xFFFFFC00  }
0x59: {  	[spmem:s2] =	stream.indirect.scatter.add.f32 [tilespmem:s23], [sflag:$0x1], $0x8, s28, s22, $0xb8;
	[tilespmem:$0x75F8] =	vst v63  }
0x5a: {  	_ =	swait.ge [sflag:s20], $0x400  }
0x5b: {  	[sflag:s20] =	ssyncset.done $0x0  }
0x5c: {  	[sflag:s20] =	ssyncadd.s32 $0xFFFFFC00  }
0x5d: {  	[spmem:s2] =	stream.indirect.scatter.add.f32 [tilespmem:s23], [sflag:$0x1], $0x8, s29, s22, $0xb8;
	[tilespmem:$0x75F8] =	vst v63  }
0x5e: {  	_ =	swait.ge [sflag:s20], $0x400  }
0x5f: {  	[sflag:s20] =	ssyncset.done $0x0  }
0x60: {  	[sflag:s20] =	ssyncadd.s32 $0xFFFFFC00  }
0x61: {  	[spmem:s2] =	stream.indirect.scatter.add.f32 [tilespmem:s23], [sflag:$0x1], $0x8, s30, s22, $0xb8;
	[tilespmem:$0x75F8] =	vst v63  }
0x62: {  	_ =	swait.ge [sflag:s20], $0x400  }
0x63: {  	[sflag:s20] =	ssyncset.done $0x0  }
0x64: {  	[sflag:s20] =	ssyncadd.s32 $0xFFFFFC00  }
0x65: {  	[spmem:s2] =	stream.indirect.scatter.add.f32 [tilespmem:s23], [sflag:$0x1], $0x8, s31, s22, $0xb8;
	[tilespmem:$0x75F8] =	vst v63  }
0x66: {  	_ =	swait.ge [sflag:s20], $0x400  }
0x67: {  	s5 =	simm.s32 $0x80;
	s6 =	simm.s32 $0x100;
	[sflag:s20] =	ssyncset.done $0x0  }
.LBB2_6:
0x68: {  	s8 =	sadd.s32 s5, s18  }
0x69: {  	[sflag:s20] =	ssyncadd.s32 $0xFFFFFC00;
	s5 =	smov.u32 s6;
	s7 =	sadd.s32 $0x80, s6  }
0x6a: {  	[tilespmem:s21], [sflag:$0x1] =	stream.linear.gather [hbm4b:s8+s3], $0x400, $0x38;
	[tilespmem:$0x75F8] =	vst v63  }
0x6b: {  	p4 =	sne.s32 s6, $0xC00;
	_ =	swait.ge [sflag:s20], $0x400  }
0x6c: {  	[sflag:s20] =	ssyncset.done $0x0  }
0x6d: {  	[sflag:s20] =	ssyncadd.s32 $0xFFFFFC00  }
0x6e: {  	[spmem:s2] =	stream.indirect.scatter.add.f32 [tilespmem:s23], [sflag:$0x1], $0x8, s21, s22, $0xb8;
	[tilespmem:$0x75F8] =	vst v63  }
0x6f: {  	_ =	swait.ge [sflag:s20], $0x400  }
0x70: {  	[sflag:s20] =	ssyncset.done $0x0  }
0x71: {  	[sflag:s20] =	ssyncadd.s32 $0xFFFFFC00  }
0x72: {  	[spmem:s2] =	stream.indirect.scatter.add.f32 [tilespmem:s23], [sflag:$0x1], $0x8, s24, s22, $0xb8;
	[tilespmem:$0x75F8] =	vst v63  }
0x73: {  	_ =	swait.ge [sflag:s20], $0x400  }
0x74: {  	[sflag:s20] =	ssyncset.done $0x0  }
0x75: {  	[sflag:s20] =	ssyncadd.s32 $0xFFFFFC00  }
0x76: {  	[spmem:s2] =	stream.indirect.scatter.add.f32 [tilespmem:s23], [sflag:$0x1], $0x8, s25, s22, $0xb8;
	[tilespmem:$0x75F8] =	vst v63  }
0x77: {  	_ =	swait.ge [sflag:s20], $0x400  }
0x78: {  	[sflag:s20] =	ssyncset.done $0x0  }
0x79: {  	[sflag:s20] =	ssyncadd.s32 $0xFFFFFC00  }
0x7a: {  	[spmem:s2] =	stream.indirect.scatter.add.f32 [tilespmem:s23], [sflag:$0x1], $0x8, s26, s22, $0xb8;
	[tilespmem:$0x75F8] =	vst v63  }
0x7b: {  	_ =	swait.ge [sflag:s20], $0x400  }
0x7c: {  	[sflag:s20] =	ssyncset.done $0x0  }
0x7d: {  	[sflag:s20] =	ssyncadd.s32 $0xFFFFFC00  }
0x7e: {  	[spmem:s2] =	stream.indirect.scatter.add.f32 [tilespmem:s23], [sflag:$0x1], $0x8, s28, s22, $0xb8;
	[tilespmem:$0x75F8] =	vst v63  }
0x7f: {  	_ =	swait.ge [sflag:s20], $0x400  }
0x80: {  	[sflag:s20] =	ssyncset.done $0x0  }
0x81: {  	[sflag:s20] =	ssyncadd.s32 $0xFFFFFC00  }
0x82: {  	[spmem:s2] =	stream.indirect.scatter.add.f32 [tilespmem:s23], [sflag:$0x1], $0x8, s29, s22, $0xb8;
	[tilespmem:$0x75F8] =	vst v63  }
0x83: {  	_ =	swait.ge [sflag:s20], $0x400  }
0x84: {  	[sflag:s20] =	ssyncset.done $0x0  }
0x85: {  	[sflag:s20] =	ssyncadd.s32 $0xFFFFFC00  }
0x86: {  	[spmem:s2] =	stream.indirect.scatter.add.f32 [tilespmem:s23], [sflag:$0x1], $0x8, s30, s22, $0xb8;
	[tilespmem:$0x75F8] =	vst v63  }
0x87: {  	_ =	swait.ge [sflag:s20], $0x400  }
.Ltmp2:
0x88: {  	[sflag:s20] =	ssyncset.done $0x0;
	(pc) =	sbr.rel @p4 .LBB2_6-.Ltmp2, $4  }
0x89: {  	[sflag:s20] =	ssyncadd.s32 $0xFFFFFC00  }
0x8a: {  	[spmem:s2] =	stream.indirect.scatter.add.f32 [tilespmem:s23], [sflag:$0x1], $0x8, s31, s22, $0xb8;
	[tilespmem:$0x75F8] =	vst v63  }
0x8b: {  	_ =	swait.ge [sflag:s20], $0x400  }
0x8c: {  	s6 =	smov.u32 s7;
	[sflag:s20] =	ssyncset.done $0x0  }
0x8d: {  	s5 =	sadd.s32 s5, s18;
	[sflag:s20] =	ssyncadd.s32 $0xFFFFFC00  }
0x8e: {  	[tilespmem:s21], [sflag:$0x1] =	stream.linear.gather [hbm4b:s5+s3], $0x400, $0x38;
	[tilespmem:$0x75F8] =	vst v63  }
0x8f: {  	_ =	swait.ge [sflag:s20], $0x400  }
0x90: {  	[sflag:s20] =	ssyncset.done $0x0  }
0x91: {  	[sflag:s20] =	ssyncadd.s32 $0xFFFFFC00  }
0x92: {  	[spmem:s2] =	stream.indirect.scatter.add.f32 [tilespmem:s23], [sflag:$0x1], $0x8, s21, s22, $0xb8;
	[tilespmem:$0x75F8] =	vst v63  }
0x93: {  	_ =	swait.ge [sflag:s20], $0x400  }
0x94: {  	[sflag:s20] =	ssyncset.done $0x0  }
0x95: {  	[sflag:s20] =	ssyncadd.s32 $0xFFFFFC00  }
0x96: {  	[spmem:s2] =	stream.indirect.scatter.add.f32 [tilespmem:s23], [sflag:$0x1], $0x8, s24, s22, $0xb8;
	[tilespmem:$0x75F8] =	vst v63  }
0x97: {  	_ =	swait.ge [sflag:s20], $0x400  }
0x98: {  	[sflag:s20] =	ssyncset.done $0x0  }
0x99: {  	[sflag:s20] =	ssyncadd.s32 $0xFFFFFC00  }
0x9a: {  	[spmem:s2] =	stream.indirect.scatter.add.f32 [tilespmem:s23], [sflag:$0x1], $0x8, s25, s22, $0xb8;
	[tilespmem:$0x75F8] =	vst v63  }
0x9b: {  	_ =	swait.ge [sflag:s20], $0x400  }
0x9c: {  	[sflag:s20] =	ssyncset.done $0x0  }
0x9d: {  	[sflag:s20] =	ssyncadd.s32 $0xFFFFFC00  }
0x9e: {  	[spmem:s2] =	stream.indirect.scatter.add.f32 [tilespmem:s23], [sflag:$0x1], $0x8, s26, s22, $0xb8;
	[tilespmem:$0x75F8] =	vst v63  }
0x9f: {  	_ =	swait.ge [sflag:s20], $0x400  }
0xa0: {  	[sflag:s20] =	ssyncset.done $0x0  }
0xa1: {  	[sflag:s20] =	ssyncadd.s32 $0xFFFFFC00  }
0xa2: {  	[spmem:s2] =	stream.indirect.scatter.add.f32 [tilespmem:s23], [sflag:$0x1], $0x8, s28, s22, $0xb8;
	[tilespmem:$0x75F8] =	vst v63  }
0xa3: {  	_ =	swait.ge [sflag:s20], $0x400  }
0xa4: {  	[sflag:s20] =	ssyncset.done $0x0  }
0xa5: {  	[sflag:s20] =	ssyncadd.s32 $0xFFFFFC00  }
0xa6: {  	[spmem:s2] =	stream.indirect.scatter.add.f32 [tilespmem:s23], [sflag:$0x1], $0x8, s29, s22, $0xb8;
	[tilespmem:$0x75F8] =	vst v63  }
0xa7: {  	_ =	swait.ge [sflag:s20], $0x400  }
0xa8: {  	[sflag:s20] =	ssyncset.done $0x0  }
0xa9: {  	[sflag:s20] =	ssyncadd.s32 $0xFFFFFC00  }
0xaa: {  	[spmem:s2] =	stream.indirect.scatter.add.f32 [tilespmem:s23], [sflag:$0x1], $0x8, s30, s22, $0xb8;
	[tilespmem:$0x75F8] =	vst v63  }
0xab: {  	_ =	swait.ge [sflag:s20], $0x400  }
0xac: {  	[sflag:s20] =	ssyncset.done $0x0  }
0xad: {  	[sflag:s20] =	ssyncadd.s32 $0xFFFFFC00  }
0xae: {  	[spmem:s2] =	stream.indirect.scatter.add.f32 [tilespmem:s23], [sflag:$0x1], $0x8, s31, s22, $0xb8;
	[tilespmem:$0x75F8] =	vst v63  }
0xaf: {  	_ =	swait.ge [sflag:s20], $0x400  }
0xb0: {  	[sflag:s20] =	ssyncset.done $0x0  }
0xb1: {  	[sflag:s20] =	ssyncadd.s32 $0xFFFFFC00  }
0xb2: {  	s6 =	simm.s32 @!p0 $0x1FC1;
	s5 =	sshrl.u32 @!p0 s14, $0x3;
	[bflag:$0x0] =	sbarrier.arrive $0xFFFF  }
0xb3: {  	[hbm:s16], [sflag:s6] =	dma.local @!p0 [spmem:s5], $0xC08  }
0xb4: {  	s5 =	simm.s32 @!p0 $0x1  }
0xb5: {  	_ =	swait.ge @!p0 [sflag:s5], $0xC08  }
0xb6: {  	s6 =	sshll.u32 @!p1 s1, $0x6;
	[sflag:s5] =	ssyncset.done @!p0 $0x0  }
0xb7: {  	[sflag:s5] =	ssyncadd.s32 @!p0 $0xFFFFF3F8;
	s5 =	sor.u32 @!p1 $0x1C01, s6;
	s6 =	sshrl.u32 @!p1 s4, $0x3  }
0xb8: {  	[hbm:s15], [sflag:s5] =	dma.local @!p1 [spmem:s6], $0xC38  }
0xb9: {  	s5 =	simm.s32 @!p1 $0x1  }
0xba: {  	_ =	swait.ge @!p1 [sflag:s5], $0xC38  }
0xbb: {  	[sflag:s5] =	ssyncset.done @!p1 $0x0  }
0xbc: {  	s6 =	simm.s32 @!p2 $0x1FC1;
	[sflag:s5] =	ssyncadd.s32 @!p1 $0xFFFFF3C8;
	s5 =	sshrl.u32 @!p2 s14, $0x3  }
0xbd: {  	[hbm:s13], [sflag:s6] =	dma.local @!p2 [spmem:s5], $0xC08  }
0xbe: {  	s5 =	simm.s32 @!p2 $0x1  }
0xbf: {  	s0 =	sadd.s32 $0x1, s0;
	_ =	swait.ge @!p2 [sflag:s5], $0xC08  }
0xc0: {  	p4 =	sne.s32 s0, s17;
	s6 =	sshll.u32 @!p3 s1, $0x6;
	[sflag:s5] =	ssyncset.done @!p2 $0x0  }
0xc1: {  	[sflag:s5] =	ssyncadd.s32 @!p2 $0xFFFFF3F8;
	s5 =	sor.u32 @!p3 $0x1C01, s6;
	s6 =	sshrl.u32 @!p3 s4, $0x3  }
0xc2: {  	[hbm:s12], [sflag:s5] =	dma.local @!p3 [spmem:s6], $0xC38  }
.Ltmp3:
0xc3: {  	_ = 	snop;
	(pc) =	sbr.rel @p4 .LBB2_1-.Ltmp3, $4  }
0xc4: {  	s5 =	simm.s32 @!p3 $0x1  }
0xc5: {  	_ =	swait.ge @!p3 [sflag:s5], $0xC38  }
0xc6: {  	[sflag:s5] =	ssyncset.done @!p3 $0x0  }
0xc7: {  	[sflag:s5] =	ssyncadd.s32 @!p3 $0xFFFFF3C8  }
0xc8: {  	_ =	sfence.sel $0x180000  }
0xc9: {  	[bflag:$0x0] =	sbarrier.arrive $0xFFFF  }
0xca: {  	_ =	strace $0x90000047  }
0xcb: {  	[bflag:$0x2] =	sbarrier.arrive $0xFFFF  }
0xcc: {  	p0 =	sne.s32 s1, $0x0;
	s0 =	rddreg [dreg:$0x4]  }
0xcd: {  	s0 =	sadd.s32 @!p0 $0x100000, s0  }
0xce: {  	[sflag:s0] =	ssyncadd.tile.s32 @!p0 $0x1;
	_ =	shalt  }
.Lfunc_end2:
_tile_overlayer_lowered:
.L_overlay_start_2:
0xcf: {  	(tag) =	ssettag $0x2  }
0xd0: {  	s0 =	rddreg [dreg:$0x0];
	s2 =	stileid.u32  }
0xd1: {  	s1 =	rddreg [dreg:$0x1];
	p0 =	sne.s32 s2, $0x0  }
0xd2: {  	s3 =	rddreg [dreg:$0x2];
	[bflag:$0x3] =	sbarrier.arrive $0xFFFF;
	s2 =	simm.s32 @!p0 $0x1C01  }
0xd3: {  	[timem:s3], [sflag:s2] =	dma.local @!p0 [hbm:s0], s1  }
0xd4: {  	s0 =	simm.s32 @!p0 $0x1  }
0xd5: {  	_ =	swait.ge @!p0 [sflag:s0], s1  }
0xd6: {  	s1 =	ssub.s32 @!p0 $0x0, s1;
	[sflag:s0] =	ssyncset.done @!p0 $0x0  }
0xd7: {  	[sflag:s0] =	ssyncadd.s32 @!p0 s1  }
0xd8: {  	[bflag:$0x3] =	sbarrier.arrive $0xFFFF  }
0xd9: {  	_ =	shalt  }

</sc_bundles>
